<compile_context>
chip_gen: v7x
topology: tpu7x:2x2x1
jax: 0.10.2.dev20260603
libtpu: 0.0.44.dev20260713+nightly
codegen_flags: <defaults>
</compile_context>

<pallas_src>
import functools
import math

import jax
import jax.numpy as jnp
from jax import lax
from jax.experimental import pallas as pl
from jax.experimental.pallas import tpu as pltpu
from jax.experimental.pallas import tpu_sc as plsc

N = 8388608
EPS = 1e-6
B = 1792
BR, BL = 14, 128
B16 = B * 16
NT = 32
ROWS = 8192
NROW = ROWS // NT
RCH = 8
NCH = NROW // RCH
BLK = 512
GRID1 = ROWS // BLK
CF = float(1.63 * math.sqrt(8388608.0))


def _stats_body(p_ref, t_ref, scal_ref, par_ref,
                a_t, a_sq, a_mx, a_mn):
    i = pl.program_id(0)
    p = p_ref[...]
    t = t_ref[...]
    d = p - t
    bs_t = jnp.sum(t, axis=0, keepdims=True)
    bs_sq = jnp.sum(d * d, axis=0, keepdims=True)
    b_mx = jnp.max(jnp.maximum(p, t), axis=0, keepdims=True)
    b_mn = jnp.min(jnp.minimum(p, t), axis=0, keepdims=True)

    @pl.when(i == 0)
    def _():
        a_t[...] = bs_t
        a_sq[...] = bs_sq
        a_mx[...] = b_mx
        a_mn[...] = b_mn

    @pl.when(i > 0)
    def _():
        a_t[...] = a_t[...] + bs_t
        a_sq[...] = a_sq[...] + bs_sq
        a_mx[...] = jnp.maximum(a_mx[...], b_mx)
        a_mn[...] = jnp.minimum(a_mn[...], b_mn)

    @pl.when(i == pl.num_programs(0) - 1)
    def _():
        sum_t = jnp.sum(a_t[...])
        mse = jnp.sum(a_sq[...]) / N
        vmax = jnp.max(a_mx[...])
        vmin = jnp.min(a_mn[...])
        nrmse = jnp.sqrt(mse) / (sum_t / N + EPS)
        vc = vmax - vmin + EPS
        c = jnp.float32(CF) * vc / N
        scal_ref[0] = nrmse
        scal_ref[1] = 100.0 / (jnp.float32(CF) * vc)
        scal_ref[2] = c
        scal_ref[3] = vmin
        ii = lax.broadcasted_iota(jnp.int32, (1, 64), 1)
        par_ref[...] = jnp.where(ii < 16, vmin,
                                 jnp.where(ii < 32, 1.0 / c, 0.0))


def _stats(p2d, t2d):
    return pl.pallas_call(
        _stats_body,
        grid=(GRID1,),
        in_specs=[pl.BlockSpec((BLK, 1024), lambda i: (i, 0)),
                  pl.BlockSpec((BLK, 1024), lambda i: (i, 0))],
        out_specs=[pl.BlockSpec((4,), lambda i: (0,), memory_space=pltpu.SMEM),
                   pl.BlockSpec((1, 64), lambda i: (0, 0))],
        out_shape=[jax.ShapeDtypeStruct((4,), jnp.float32),
                   jax.ShapeDtypeStruct((1, 64), jnp.float32)],
        scratch_shapes=[pltpu.VMEM((1, 1024), jnp.float32)] * 4,
    )(p2d, t2d)


def _sc_body(p_hbm, t_hbm, par_hbm, out_hbm,
             hp, ht, bp0, bp1, bt0, bt1, fold_v, par_v,
             semp0, semp1, semt0, semt1):
    wid = lax.axis_index("s") * 2 + lax.axis_index("c")
    row0 = wid * NROW
    pltpu.sync_copy(par_hbm, par_v)
    vmin = par_v[pl.ds(0, 16)]
    vinvh = par_v[pl.ds(16, 16)]
    lane = lax.iota(jnp.int32, 16)
    ones = jnp.full((16,), 1.0, jnp.float32)
    zeros = jnp.zeros((16,), jnp.float32)

    def zbody(j, c):
        for u in range(4):
            hp[pl.ds(j * 64 + u * 16, 16)] = zeros
            ht[pl.ds(j * 64 + u * 16, 16)] = zeros
        return c

    lax.fori_loop(0, B16 // 64, zbody, 0)

    def compute(bufp, buft):
        def vbody(k, c):
            vps = [bufp[r, pl.ds(k * 16, 16)] for r in range(RCH)]
            vts = [buft[r, pl.ds(k * 16, 16)] for r in range(RCH)]

            def addr(v):
                idx = lax.convert_element_type((v - vmin) * vinvh, jnp.int32)
                return idx * 16 + lane

            aps = [addr(v) for v in vps]
            ats = [addr(v) for v in vts]
            for ap, at in zip(aps, ats):
                plsc.addupdate_scatter(hp, [ap], ones)
                plsc.addupdate_scatter(ht, [at], ones)
            return c

        lax.fori_loop(0, 1024 // 16, vbody, 0)

    def srcp(ci):
        return p_hbm.at[pl.ds(row0 + ci * RCH, RCH), :]

    def srct(ci):
        return t_hbm.at[pl.ds(row0 + ci * RCH, RCH), :]

    pltpu.make_async_copy(srcp(0), bp0, semp0).start()
    pltpu.make_async_copy(srct(0), bt0, semt0).start()
    pltpu.make_async_copy(srcp(1), bp1, semp1).start()
    pltpu.make_async_copy(srct(1), bt1, semt1).start()

    def cbody(cj, c):
        c0 = cj * 2
        pltpu.make_async_copy(srcp(c0), bp0, semp0).wait()
        pltpu.make_async_copy(srct(c0), bt0, semt0).wait()
        compute(bp0, bt0)

        @pl.when(c0 + 2 < NCH)
        def _():
            pltpu.make_async_copy(srcp(c0 + 2), bp0, semp0).start()
            pltpu.make_async_copy(srct(c0 + 2), bt0, semt0).start()

        pltpu.make_async_copy(srcp(c0 + 1), bp1, semp1).wait()
        pltpu.make_async_copy(srct(c0 + 1), bt1, semt1).wait()
        compute(bp1, bt1)

        @pl.when(c0 + 3 < NCH)
        def _():
            pltpu.make_async_copy(srcp(c0 + 3), bp1, semp1).start()
            pltpu.make_async_copy(srct(c0 + 3), bt1, semt1).start()

        return c

    lax.fori_loop(0, NCH // 2, cbody, 0)

    def fbody(j0, c):
        bkt = (j0 * 16 + lane) * 16
        pc = [plsc.load_gather(hp, [bkt + l]) for l in range(16)]
        ps = [plsc.load_gather(ht, [bkt + l]) for l in range(16)]

        def tree(xs):
            while len(xs) > 1:
                xs = [a + b for a, b in zip(xs[::2], xs[1::2])]
            return xs[0]

        fold_v[0, pl.ds(j0 * 16, 16)] = tree(pc)
        fold_v[1, pl.ds(j0 * 16, 16)] = tree(ps)
        return c

    lax.fori_loop(0, B // 16, fbody, 0)
    pltpu.sync_copy(fold_v, out_hbm.at[wid])


def _sc_hist(p2d, t2d, params):
    mesh = plsc.VectorSubcoreMesh(core_axis_name="c", subcore_axis_name="s")
    f = functools.partial(
        pl.kernel,
        mesh=mesh,
        out_type=jax.ShapeDtypeStruct((NT, 2, B), jnp.float32),
        compiler_params=pltpu.CompilerParams(needs_layout_passes=False),
        scratch_types=[pltpu.VMEM((B16,), jnp.float32),
                       pltpu.VMEM((B16,), jnp.float32),
                       pltpu.VMEM((RCH, 1024), jnp.float32),
                       pltpu.VMEM((RCH, 1024), jnp.float32),
                       pltpu.VMEM((RCH, 1024), jnp.float32),
                       pltpu.VMEM((RCH, 1024), jnp.float32),
                       pltpu.VMEM((2, B), jnp.float32),
                       pltpu.VMEM((64,), jnp.float32),
                       pltpu.SemaphoreType.DMA,
                       pltpu.SemaphoreType.DMA,
                       pltpu.SemaphoreType.DMA,
                       pltpu.SemaphoreType.DMA],
    )(_sc_body)
    return f(p2d, t2d, params)


def _tri(n, cmp):
    a = lax.broadcasted_iota(jnp.int32, (n, n), 0)
    b = lax.broadcasted_iota(jnp.int32, (n, n), 1)
    return cmp(a, b).astype(jnp.float32)


def _mm(a, b):
    return jnp.dot(a, b, precision=lax.Precision.HIGHEST,
                   preferred_element_type=jnp.float32)


def _fin_body(hist_ref, par_ref, diff_ref, exc_ref):
    h = par_ref[0]
    H = jnp.sum(hist_ref[...], axis=0)
    U = _tri(BL, lambda a, b: a <= b)
    SL = _tri(BR, lambda a, b: b < a)
    P = _tri(BL, lambda a, b: b == a + 1)
    SD = _tri(BR, lambda a, b: b == a - 1)
    col0 = (lax.broadcasted_iota(jnp.int32, (1, BL), 1) == 0).astype(jnp.float32)

    def cell_int(cnt):
        incl = _mm(cnt, U)
        rs = incl[:, BL - 1:BL]
        off = _mm(SL, rs)
        return h * (incl - 0.5 * cnt + off)

    def shift1(a):
        carry = _mm(SD, a[:, BL - 1:BL])
        return _mm(a, P) + carry * col0

    ap = cell_int(H[0])
    at = cell_int(H[1])
    diff_ref[...] = jnp.sum(jnp.abs(ap - at), keepdims=True)
    exc_ref[...] = (jnp.sum(jnp.maximum(shift1(at) - ap, 0.0), keepdims=True) +
                    jnp.sum(jnp.maximum(shift1(ap) - at, 0.0), keepdims=True))


def _finalize(hist4d, par):
    out = jax.ShapeDtypeStruct((1, 1), jnp.float32)
    return pl.pallas_call(
        _fin_body,
        in_specs=[pl.BlockSpec(memory_space=pltpu.VMEM),
                  pl.BlockSpec(memory_space=pltpu.SMEM)],
        out_specs=[pl.BlockSpec(memory_space=pltpu.VMEM)] * 2,
        out_shape=[out] * 2,
    )(hist4d, par)


def kernel(output, target):
    p2d = output.reshape(ROWS, 1024)
    t2d = target.reshape(ROWS, 1024)
    scal, params = _stats(p2d, t2d)
    hist = _sc_hist(p2d, t2d, params.reshape(64))
    sd, se = _finalize(hist.reshape(NT, 2, BR, BL), scal[2:3])
    nrmse = scal[0]
    scaling = scal[1]
    return (scaling * (sd[0, 0] + se[0, 0]) + 2.0 * nrmse) / 4.0

# --- scband reference (transcript-rebuilt; emitter-appended) ---
"""Pipeline reference for scband-cpiloss-48026324304343 (READ-ONLY COPY).

The authoritative reference and input builder live on the scoring server;
editing this copy changes nothing except your own understanding.
"""

import jax, jax.numpy as jnp
import numpy as np

EPS = 1e-06

def setup_inputs(seed: int = 0) -> dict:
    key = jax.random.key(seed)
    k1, k2 = jax.random.split(key)
    output = jax.random.normal(k1, (2, 4096, 1024), dtype=jnp.float32)
    target = jax.random.uniform(k2, (2, 4096, 1024), dtype=jnp.float32)
    return {"output": output, "target": target}

def reference(output, target):
    pred_flat = output.reshape(-1)
    target_flat = target.reshape(-1)
    n = pred_flat.shape[0]
    mse = jnp.mean((pred_flat - target_flat) ** 2)
    rmse = jnp.sqrt(mse)
    target_mean = jnp.mean(target_flat)
    nrmse = rmse / (target_mean + EPS)
    pred_sorted = jnp.sort(pred_flat)
    target_sorted = jnp.sort(target_flat)
    diff_sorted = jnp.abs(pred_sorted - target_sorted)
    max_val = jnp.maximum(jnp.max(target_flat), jnp.max(pred_flat))
    min_val = jnp.minimum(jnp.min(target_flat), jnp.min(pred_flat))
    vc = max_val - min_val + EPS
    critical_factor = 1.63 * jnp.sqrt(jnp.asarray(n, dtype=jnp.float32))
    scaling_factor = 100.0 / (critical_factor * vc)
    integral_approx = jnp.sum(diff_sorted)
    ksi = scaling_factor * integral_approx
    critical_limit = critical_factor * vc
    excess = jnp.clip(diff_sorted - critical_limit / n, 0.0, None)
    over = scaling_factor * jnp.sum(excess)
    cpi = (ksi + over + 2 * nrmse) / 4
    return cpi

if __name__ == "__main__":
    import jax
    _d = setup_inputs()
    print(jax.jit(kernel)(*tuple(_d.values())))

</pallas_src>

<mosaic_0001>
#map = affine_map<(d0, d1) -> (0, 0)>
#map1 = affine_map<(d0, d1) -> (0)>
#map2 = affine_map<(d0, d1) -> (0, 0, 0)>
module attributes {stable_mosaic.version = 14 : i64} {
  func.func @_sc_body(%arg0: i32, %arg1: i32, %arg2: memref<8192x1024xf32, #tpu.memory_space<hbm>>, %arg3: memref<8192x1024xf32, #tpu.memory_space<hbm>>, %arg4: memref<64xf32, #tpu.memory_space<hbm>>, %arg5: memref<32x2x1792xf32, #tpu.memory_space<hbm>>, %arg6: memref<28672xf32, #tpu.memory_space<vmem>>, %arg7: memref<28672xf32, #tpu.memory_space<vmem>>, %arg8: memref<8x1024xf32, #tpu.memory_space<vmem>>, %arg9: memref<8x1024xf32, #tpu.memory_space<vmem>>, %arg10: memref<8x1024xf32, #tpu.memory_space<vmem>>, %arg11: memref<8x1024xf32, #tpu.memory_space<vmem>>, %arg12: memref<2x1792xf32, #tpu.memory_space<vmem>>, %arg13: memref<64xf32, #tpu.memory_space<vmem>>, %arg14: memref<!tpu.dma_semaphore, #tpu.memory_space<semaphore_mem>>, %arg15: memref<!tpu.dma_semaphore, #tpu.memory_space<semaphore_mem>>, %arg16: memref<!tpu.dma_semaphore, #tpu.memory_space<semaphore_mem>>, %arg17: memref<!tpu.dma_semaphore, #tpu.memory_space<semaphore_mem>>) attributes {dimension_semantics = [#tpu.dimension_semantics<core_parallel>, #tpu.dimension_semantics<subcore_parallel>], iteration_bounds = array<i64: 2, 16>, scalar_prefetch = 0 : i64, scratch_operands = 12 : i64, tpu.core_type = #tpu.core_type<sc_vector_subcore>, window_params = [{transform_indices = #map}, {transform_indices = #map}, {transform_indices = #map1}, {transform_indices = #map2}]} {
    %mul3A = arith.constant 2 : i32
    %mul3A_0 = arith.muli %arg1, %mul3A : i32
    %add3A = arith.addi %mul3A_0, %arg0 : i32
    %mul3A_1 = arith.constant 256 : i32
    %mul3A_2 = arith.muli %add3A, %mul3A_1 : i32
    "tpu.region"() ({
      %run_scoped3A = tpu.sem_alloc : memref<!tpu.dma_semaphore, #tpu.memory_space<semaphore_mem>>
      tpu.enqueue_dma source(%arg4 : memref<64xf32, #tpu.memory_space<hbm>>) target(%arg13 : memref<64xf32, #tpu.memory_space<vmem>>) target_semaphore(%run_scoped3A : memref<!tpu.dma_semaphore, #tpu.memory_space<semaphore_mem>>)
      tpu.wait_dma2 semaphore(%run_scoped3A : memref<!tpu.dma_semaphore, #tpu.memory_space<semaphore_mem>>) src(%arg4 : memref<64xf32, #tpu.memory_space<hbm>>) dst(%arg13 : memref<64xf32, #tpu.memory_space<vmem>>)
      tpu.yield
    }) : () -> ()
    %get3A = arith.constant 0 : index
    %get3A_3 = tpu.vector_load %arg13[%get3A] {strides = array<i32>} : memref<64xf32, #tpu.memory_space<vmem>>, vector<16xf32>,
    %get3A_4 = arith.constant 16 : index
    %get3A_5 = tpu.vector_load %arg13[%get3A_4] {strides = array<i32>} : memref<64xf32, #tpu.memory_space<vmem>>, vector<16xf32>,
    %iota3A = tpu.iota {dimensions = array<i32: 0>} : vector<16xi32>
    %broadcast_in_dim3A = arith.constant 1.000000e+00 : f32
    %broadcast_in_dim3A_6 = vector.broadcast %broadcast_in_dim3A : f32 to vector<16xf32>
    %broadcast_in_dim3A_7 = arith.constant 0.000000e+00 : f32
    %broadcast_in_dim3A_8 = vector.broadcast %broadcast_in_dim3A_7 : f32 to vector<16xf32>
    %scan3A = arith.constant 0 : i32
    %scan3A_9 = arith.constant 0 : i32
    %scan3A_10 = arith.constant 448 : i32
    %scan3A_11 = arith.addi %scan3A_9, %scan3A_10 : i32
    %scan3A_12 = arith.constant 1 : i32
    scf.for %scan3A_49 = %scan3A_9 to %scan3A_11 step %scan3A_12  : i32 {
      %mul3A_50 = arith.constant 64 : i32
      %mul3A_51 = arith.muli %scan3A_49, %mul3A_50 : i32
      %add3A_52 = arith.constant 0 : i32
      %add3A_53 = arith.addi %mul3A_51, %add3A_52 : i32
      %swap3A = arith.index_cast %add3A_53 : i32 to index
      %swap3A_54 = tpu.vector_load %arg6[%swap3A] {strides = array<i32>} : memref<28672xf32, #tpu.memory_space<vmem>>, vector<16xf32>,
      tpu.vector_store %arg6[%swap3A], %broadcast_in_dim3A_8 {strides = array<i32>} : memref<28672xf32, #tpu.memory_space<vmem>>, vector<16xf32>,
      %mul3A_55 = arith.constant 64 : i32
      %mul3A_56 = arith.muli %scan3A_49, %mul3A_55 : i32
      %add3A_57 = arith.constant 0 : i32
      %add3A_58 = arith.addi %mul3A_56, %add3A_57 : i32
      %swap3A_59 = arith.index_cast %add3A_58 : i32 to index
      %swap3A_60 = tpu.vector_load %arg7[%swap3A_59] {strides = array<i32>} : memref<28672xf32, #tpu.memory_space<vmem>>, vector<16xf32>,
      tpu.vector_store %arg7[%swap3A_59], %broadcast_in_dim3A_8 {strides = array<i32>} : memref<28672xf32, #tpu.memory_space<vmem>>, vector<16xf32>,
      %mul3A_61 = arith.constant 64 : i32
      %mul3A_62 = arith.muli %scan3A_49, %mul3A_61 : i32
      %add3A_63 = arith.constant 16 : i32
      %add3A_64 = arith.addi %mul3A_62, %add3A_63 : i32
      %swap3A_65 = arith.index_cast %add3A_64 : i32 to index
      %swap3A_66 = tpu.vector_load %arg6[%swap3A_65] {strides = array<i32>} : memref<28672xf32, #tpu.memory_space<vmem>>, vector<16xf32>,
      tpu.vector_store %arg6[%swap3A_65], %broadcast_in_dim3A_8 {strides = array<i32>} : memref<28672xf32, #tpu.memory_space<vmem>>, vector<16xf32>,
      %mul3A_67 = arith.constant 64 : i32
      %mul3A_68 = arith.muli %scan3A_49, %mul3A_67 : i32
      %add3A_69 = arith.constant 16 : i32
      %add3A_70 = arith.addi %mul3A_68, %add3A_69 : i32
      %swap3A_71 = arith.index_cast %add3A_70 : i32 to index
      %swap3A_72 = tpu.vector_load %arg7[%swap3A_71] {strides = array<i32>} : memref<28672xf32, #tpu.memory_space<vmem>>, vector<16xf32>,
      tpu.vector_store %arg7[%swap3A_71], %broadcast_in_dim3A_8 {strides = array<i32>} : memref<28672xf32, #tpu.memory_space<vmem>>, vector<16xf32>,
      %mul3A_73 = arith.constant 64 : i32
      %mul3A_74 = arith.muli %scan3A_49, %mul3A_73 : i32
      %add3A_75 = arith.constant 32 : i32
      %add3A_76 = arith.addi %mul3A_74, %add3A_75 : i32
      %swap3A_77 = arith.index_cast %add3A_76 : i32 to index
      %swap3A_78 = tpu.vector_load %arg6[%swap3A_77] {strides = array<i32>} : memref<28672xf32, #tpu.memory_space<vmem>>, vector<16xf32>,
      tpu.vector_store %arg6[%swap3A_77], %broadcast_in_dim3A_8 {strides = array<i32>} : memref<28672xf32, #tpu.memory_space<vmem>>, vector<16xf32>,
      %mul3A_79 = arith.constant 64 : i32
      %mul3A_80 = arith.muli %scan3A_49, %mul3A_79 : i32
      %add3A_81 = arith.constant 32 : i32
      %add3A_82 = arith.addi %mul3A_80, %add3A_81 : i32
      %swap3A_83 = arith.index_cast %add3A_82 : i32 to index
      %swap3A_84 = tpu.vector_load %arg7[%swap3A_83] {strides = array<i32>} : memref<28672xf32, #tpu.memory_space<vmem>>, vector<16xf32>,
      tpu.vector_store %arg7[%swap3A_83], %broadcast_in_dim3A_8 {strides = array<i32>} : memref<28672xf32, #tpu.memory_space<vmem>>, vector<16xf32>,
      %mul3A_85 = arith.constant 64 : i32
      %mul3A_86 = arith.muli %scan3A_49, %mul3A_85 : i32
      %add3A_87 = arith.constant 48 : i32
      %add3A_88 = arith.addi %mul3A_86, %add3A_87 : i32
      %swap3A_89 = arith.index_cast %add3A_88 : i32 to index
      %swap3A_90 = tpu.vector_load %arg6[%swap3A_89] {strides = array<i32>} : memref<28672xf32, #tpu.memory_space<vmem>>, vector<16xf32>,
      tpu.vector_store %arg6[%swap3A_89], %broadcast_in_dim3A_8 {strides = array<i32>} : memref<28672xf32, #tpu.memory_space<vmem>>, vector<16xf32>,
      %mul3A_91 = arith.constant 64 : i32
      %mul3A_92 = arith.muli %scan3A_49, %mul3A_91 : i32
      %add3A_93 = arith.constant 48 : i32
      %add3A_94 = arith.addi %mul3A_92, %add3A_93 : i32
      %swap3A_95 = arith.index_cast %add3A_94 : i32 to index
      %swap3A_96 = tpu.vector_load %arg7[%swap3A_95] {strides = array<i32>} : memref<28672xf32, #tpu.memory_space<vmem>>, vector<16xf32>,
      tpu.vector_store %arg7[%swap3A_95], %broadcast_in_dim3A_8 {strides = array<i32>} : memref<28672xf32, #tpu.memory_space<vmem>>, vector<16xf32>,
    }
    %scan3A_13 = arith.constant 448 : i32
    %add3A_14 = arith.constant 0 : i32
    %add3A_15 = arith.addi %mul3A_2, %add3A_14 : i32
    %dma_start3A = arith.constant 0 : i32
    %dma_start3A_16 = tpu.memref_slice %arg2[%add3A_15, %dma_start3A] : memref<8192x1024xf32, #tpu.memory_space<hbm>> -> memref<8x1024xf32, #tpu.memory_space<hbm>>
    %dma_start3A_17 = arith.constant 0 : i32
    %dma_start3A_18 = tpu.memref_slice %arg2[%add3A_15, %dma_start3A_17] : memref<8192x1024xf32, #tpu.memory_space<hbm>> -> memref<8x1024xf32, #tpu.memory_space<hbm>>
    tpu.enqueue_dma source(%dma_start3A_18 : memref<8x1024xf32, #tpu.memory_space<hbm>>) target(%arg8 : memref<8x1024xf32, #tpu.memory_space<vmem>>) target_semaphore(%arg14 : memref<!tpu.dma_semaphore, #tpu.memory_space<semaphore_mem>>)
    %add3A_19 = arith.constant 0 : i32
    %add3A_20 = arith.addi %mul3A_2, %add3A_19 : i32
    %dma_start3A_21 = arith.constant 0 : i32
    %dma_start3A_22 = tpu.memref_slice %arg3[%add3A_20, %dma_start3A_21] : memref<8192x1024xf32, #tpu.memory_space<hbm>> -> memref<8x1024xf32, #tpu.memory_space<hbm>>
    %dma_start3A_23 = arith.constant 0 : i32
    %dma_start3A_24 = tpu.memref_slice %arg3[%add3A_20, %dma_start3A_23] : memref<8192x1024xf32, #tpu.memory_space<hbm>> -> memref<8x1024xf32, #tpu.memory_space<hbm>>
    tpu.enqueue_dma source(%dma_start3A_24 : memref<8x1024xf32, #tpu.memory_space<hbm>>) target(%arg10 : memref<8x1024xf32, #tpu.memory_space<vmem>>) target_semaphore(%arg16 : memref<!tpu.dma_semaphore, #tpu.memory_space<semaphore_mem>>)
    %add3A_25 = arith.constant 8 : i32
    %add3A_26 = arith.addi %mul3A_2, %add3A_25 : i32
    %dma_start3A_27 = arith.constant 0 : i32
    %dma_start3A_28 = tpu.memref_slice %arg2[%add3A_26, %dma_start3A_27] : memref<8192x1024xf32, #tpu.memory_space<hbm>> -> memref<8x1024xf32, #tpu.memory_space<hbm>>
    %dma_start3A_29 = arith.constant 0 : i32
    %dma_start3A_30 = tpu.memref_slice %arg2[%add3A_26, %dma_start3A_29] : memref<8192x1024xf32, #tpu.memory_space<hbm>> -> memref<8x1024xf32, #tpu.memory_space<hbm>>
    tpu.enqueue_dma source(%dma_start3A_30 : memref<8x1024xf32, #tpu.memory_space<hbm>>) target(%arg9 : memref<8x1024xf32, #tpu.memory_space<vmem>>) target_semaphore(%arg15 : memref<!tpu.dma_semaphore, #tpu.memory_space<semaphore_mem>>)
    %add3A_31 = arith.constant 8 : i32
    %add3A_32 = arith.addi %mul3A_2, %add3A_31 : i32
    %dma_start3A_33 = arith.constant 0 : i32
    %dma_start3A_34 = tpu.memref_slice %arg3[%add3A_32, %dma_start3A_33] : memref<8192x1024xf32, #tpu.memory_space<hbm>> -> memref<8x1024xf32, #tpu.memory_space<hbm>>
    %dma_start3A_35 = arith.constant 0 : i32
    %dma_start3A_36 = tpu.memref_slice %arg3[%add3A_32, %dma_start3A_35] : memref<8192x1024xf32, #tpu.memory_space<hbm>> -> memref<8x1024xf32, #tpu.memory_space<hbm>>
    tpu.enqueue_dma source(%dma_start3A_36 : memref<8x1024xf32, #tpu.memory_space<hbm>>) target(%arg11 : memref<8x1024xf32, #tpu.memory_space<vmem>>) target_semaphore(%arg17 : memref<!tpu.dma_semaphore, #tpu.memory_space<semaphore_mem>>)
    %scan3A_37 = arith.constant 0 : i32
    %scan3A_38 = arith.constant 0 : i32
    %scan3A_39 = arith.constant 16 : i32
    %scan3A_40 = arith.addi %scan3A_38, %scan3A_39 : i32
    %scan3A_41 = arith.constant 1 : i32
    scf.for %scan3A_49 = %scan3A_38 to %scan3A_40 step %scan3A_41  : i32 {
      %mul3A_50 = arith.constant 2 : i32
      %mul3A_51 = arith.muli %scan3A_49, %mul3A_50 : i32
      %mul3A_52 = arith.constant 8 : i32
      %mul3A_53 = arith.muli %mul3A_51, %mul3A_52 : i32
      %add3A_54 = arith.addi %mul3A_2, %mul3A_53 : i32
      %dma_wait3A = arith.constant 0 : i32
      %dma_wait3A_55 = tpu.memref_slice %arg2[%add3A_54, %dma_wait3A] : memref<8192x1024xf32, #tpu.memory_space<hbm>> -> memref<8x1024xf32, #tpu.memory_space<hbm>>
      %dma_wait3A_56 = arith.constant 0 : i32
      %dma_wait3A_57 = tpu.memref_slice %arg2[%add3A_54, %dma_wait3A_56] : memref<8192x1024xf32, #tpu.memory_space<hbm>> -> memref<8x1024xf32, #tpu.memory_space<hbm>>
      tpu.wait_dma2 semaphore(%arg14 : memref<!tpu.dma_semaphore, #tpu.memory_space<semaphore_mem>>) src(%dma_wait3A_57 : memref<8x1024xf32, #tpu.memory_space<hbm>>) dst(%arg8 : memref<8x1024xf32, #tpu.memory_space<vmem>>)
      %mul3A_58 = arith.constant 8 : i32
      %mul3A_59 = arith.muli %mul3A_51, %mul3A_58 : i32
      %add3A_60 = arith.addi %mul3A_2, %mul3A_59 : i32
      %dma_wait3A_61 = arith.constant 0 : i32
      %dma_wait3A_62 = tpu.memref_slice %arg3[%add3A_60, %dma_wait3A_61] : memref<8192x1024xf32, #tpu.memory_space<hbm>> -> memref<8x1024xf32, #tpu.memory_space<hbm>>
      %dma_wait3A_63 = arith.constant 0 : i32
      %dma_wait3A_64 = tpu.memref_slice %arg3[%add3A_60, %dma_wait3A_63] : memref<8192x1024xf32, #tpu.memory_space<hbm>> -> memref<8x1024xf32, #tpu.memory_space<hbm>>
      tpu.wait_dma2 semaphore(%arg16 : memref<!tpu.dma_semaphore, #tpu.memory_space<semaphore_mem>>) src(%dma_wait3A_64 : memref<8x1024xf32, #tpu.memory_space<hbm>>) dst(%arg10 : memref<8x1024xf32, #tpu.memory_space<vmem>>)
      %scan3A_65 = arith.constant 0 : i32
      %scan3A_66 = arith.constant 0 : i32
      %scan3A_67 = arith.constant 64 : i32
      %scan3A_68 = arith.addi %scan3A_66, %scan3A_67 : i32
      %scan3A_69 = arith.constant 1 : i32
      scf.for %scan3A_106 = %scan3A_66 to %scan3A_68 step %scan3A_69  : i32 {
        %mul3A_107 = arith.constant 16 : i32
        %mul3A_108 = arith.muli %scan3A_106, %mul3A_107 : i32
        %get3A_109 = arith.constant 0 : i32
        %get3A_110 = arith.index_cast %get3A_109 : i32 to index
        %get3A_111 = arith.index_cast %mul3A_108 : i32 to index
        %get3A_112 = tpu.vector_load %arg8[%get3A_110, %get3A_111] {strides = array<i32>} : memref<8x1024xf32, #tpu.memory_space<vmem>>, vector<16xf32>,
        %mul3A_113 = arith.constant 16 : i32
        %mul3A_114 = arith.muli %scan3A_106, %mul3A_113 : i32
        %get3A_115 = arith.constant 1 : i32
        %get3A_116 = arith.index_cast %get3A_115 : i32 to index
        %get3A_117 = arith.index_cast %mul3A_114 : i32 to index
        %get3A_118 = tpu.vector_load %arg8[%get3A_116, %get3A_117] {strides = array<i32>} : memref<8x1024xf32, #tpu.memory_space<vmem>>, vector<16xf32>,
        %mul3A_119 = arith.constant 16 : i32
        %mul3A_120 = arith.muli %scan3A_106, %mul3A_119 : i32
        %get3A_121 = arith.constant 2 : i32
        %get3A_122 = arith.index_cast %get3A_121 : i32 to index
        %get3A_123 = arith.index_cast %mul3A_120 : i32 to index
        %get3A_124 = tpu.vector_load %arg8[%get3A_122, %get3A_123] {strides = array<i32>} : memref<8x1024xf32, #tpu.memory_space<vmem>>, vector<16xf32>,
        %mul3A_125 = arith.constant 16 : i32
        %mul3A_126 = arith.muli %scan3A_106, %mul3A_125 : i32
        %get3A_127 = arith.constant 3 : i32
        %get3A_128 = arith.index_cast %get3A_127 : i32 to index
        %get3A_129 = arith.index_cast %mul3A_126 : i32 to index
        %get3A_130 = tpu.vector_load %arg8[%get3A_128, %get3A_129] {strides = array<i32>} : memref<8x1024xf32, #tpu.memory_space<vmem>>, vector<16xf32>,
        %mul3A_131 = arith.constant 16 : i32
        %mul3A_132 = arith.muli %scan3A_106, %mul3A_131 : i32
        %get3A_133 = arith.constant 4 : i32
        %get3A_134 = arith.index_cast %get3A_133 : i32 to index
        %get3A_135 = arith.index_cast %mul3A_132 : i32 to index
        %get3A_136 = tpu.vector_load %arg8[%get3A_134, %get3A_135] {strides = array<i32>} : memref<8x1024xf32, #tpu.memory_space<vmem>>, vector<16xf32>,
        %mul3A_137 = arith.constant 16 : i32
        %mul3A_138 = arith.muli %scan3A_106, %mul3A_137 : i32
        %get3A_139 = arith.constant 5 : i32
        %get3A_140 = arith.index_cast %get3A_139 : i32 to index
        %get3A_141 = arith.index_cast %mul3A_138 : i32 to index
        %get3A_142 = tpu.vector_load %arg8[%get3A_140, %get3A_141] {strides = array<i32>} : memref<8x1024xf32, #tpu.memory_space<vmem>>, vector<16xf32>,
        %mul3A_143 = arith.constant 16 : i32
        %mul3A_144 = arith.muli %scan3A_106, %mul3A_143 : i32
        %get3A_145 = arith.constant 6 : i32
        %get3A_146 = arith.index_cast %get3A_145 : i32 to index
        %get3A_147 = arith.index_cast %mul3A_144 : i32 to index
        %get3A_148 = tpu.vector_load %arg8[%get3A_146, %get3A_147] {strides = array<i32>} : memref<8x1024xf32, #tpu.memory_space<vmem>>, vector<16xf32>,
        %mul3A_149 = arith.constant 16 : i32
        %mul3A_150 = arith.muli %scan3A_106, %mul3A_149 : i32
        %get3A_151 = arith.constant 7 : i32
        %get3A_152 = arith.index_cast %get3A_151 : i32 to index
        %get3A_153 = arith.index_cast %mul3A_150 : i32 to index
        %get3A_154 = tpu.vector_load %arg8[%get3A_152, %get3A_153] {strides = array<i32>} : memref<8x1024xf32, #tpu.memory_space<vmem>>, vector<16xf32>,
        %mul3A_155 = arith.constant 16 : i32
        %mul3A_156 = arith.muli %scan3A_106, %mul3A_155 : i32
        %get3A_157 = arith.constant 0 : i32
        %get3A_158 = arith.index_cast %get3A_157 : i32 to index
        %get3A_159 = arith.index_cast %mul3A_156 : i32 to index
        %get3A_160 = tpu.vector_load %arg10[%get3A_158, %get3A_159] {strides = array<i32>} : memref<8x1024xf32, #tpu.memory_space<vmem>>, vector<16xf32>,
        %mul3A_161 = arith.constant 16 : i32
        %mul3A_162 = arith.muli %scan3A_106, %mul3A_161 : i32
        %get3A_163 = arith.constant 1 : i32
        %get3A_164 = arith.index_cast %get3A_163 : i32 to index
        %get3A_165 = arith.index_cast %mul3A_162 : i32 to index
        %get3A_166 = tpu.vector_load %arg10[%get3A_164, %get3A_165] {strides = array<i32>} : memref<8x1024xf32, #tpu.memory_space<vmem>>, vector<16xf32>,
        %mul3A_167 = arith.constant 16 : i32
        %mul3A_168 = arith.muli %scan3A_106, %mul3A_167 : i32
        %get3A_169 = arith.constant 2 : i32
        %get3A_170 = arith.index_cast %get3A_169 : i32 to index
        %get3A_171 = arith.index_cast %mul3A_168 : i32 to index
        %get3A_172 = tpu.vector_load %arg10[%get3A_170, %get3A_171] {strides = array<i32>} : memref<8x1024xf32, #tpu.memory_space<vmem>>, vector<16xf32>,
        %mul3A_173 = arith.constant 16 : i32
        %mul3A_174 = arith.muli %scan3A_106, %mul3A_173 : i32
        %get3A_175 = arith.constant 3 : i32
        %get3A_176 = arith.index_cast %get3A_175 : i32 to index
        %get3A_177 = arith.index_cast %mul3A_174 : i32 to index
        %get3A_178 = tpu.vector_load %arg10[%get3A_176, %get3A_177] {strides = array<i32>} : memref<8x1024xf32, #tpu.memory_space<vmem>>, vector<16xf32>,
        %mul3A_179 = arith.constant 16 : i32
        %mul3A_180 = arith.muli %scan3A_106, %mul3A_179 : i32
        %get3A_181 = arith.constant 4 : i32
        %get3A_182 = arith.index_cast %get3A_181 : i32 to index
        %get3A_183 = arith.index_cast %mul3A_180 : i32 to index
        %get3A_184 = tpu.vector_load %arg10[%get3A_182, %get3A_183] {strides = array<i32>} : memref<8x1024xf32, #tpu.memory_space<vmem>>, vector<16xf32>,
        %mul3A_185 = arith.constant 16 : i32
        %mul3A_186 = arith.muli %scan3A_106, %mul3A_185 : i32
        %get3A_187 = arith.constant 5 : i32
        %get3A_188 = arith.index_cast %get3A_187 : i32 to index
        %get3A_189 = arith.index_cast %mul3A_186 : i32 to index
        %get3A_190 = tpu.vector_load %arg10[%get3A_188, %get3A_189] {strides = array<i32>} : memref<8x1024xf32, #tpu.memory_space<vmem>>, vector<16xf32>,
        %mul3A_191 = arith.constant 16 : i32
        %mul3A_192 = arith.muli %scan3A_106, %mul3A_191 : i32
        %get3A_193 = arith.constant 6 : i32
        %get3A_194 = arith.index_cast %get3A_193 : i32 to index
        %get3A_195 = arith.index_cast %mul3A_192 : i32 to index
        %get3A_196 = tpu.vector_load %arg10[%get3A_194, %get3A_195] {strides = array<i32>} : memref<8x1024xf32, #tpu.memory_space<vmem>>, vector<16xf32>,
        %mul3A_197 = arith.constant 16 : i32
        %mul3A_198 = arith.muli %scan3A_106, %mul3A_197 : i32
        %get3A_199 = arith.constant 7 : i32
        %get3A_200 = arith.index_cast %get3A_199 : i32 to index
        %get3A_201 = arith.index_cast %mul3A_198 : i32 to index
        %get3A_202 = tpu.vector_load %arg10[%get3A_200, %get3A_201] {strides = array<i32>} : memref<8x1024xf32, #tpu.memory_space<vmem>>, vector<16xf32>,
        %sub3A = arith.subf %get3A_112, %get3A_3 : vector<16xf32>
        %mul3A_203 = arith.mulf %sub3A, %get3A_5 : vector<16xf32>
        %convert_element_type3A_204 = arith.fptosi %mul3A_203 : vector<16xf32> to vector<16xi32>
        %mul3A_205 = arith.constant 16 : i32
        %mul3A_206 = vector.broadcast %mul3A_205 : i32 to vector<16xi32>
        %mul3A_207 = arith.muli %convert_element_type3A_204, %mul3A_206 : vector<16xi32>
        %add3A_208 = arith.addi %mul3A_207, %iota3A : vector<16xi32>
        %sub3A_209 = arith.subf %get3A_118, %get3A_3 : vector<16xf32>
        %mul3A_210 = arith.mulf %sub3A_209, %get3A_5 : vector<16xf32>
        %convert_element_type3A_211 = arith.fptosi %mul3A_210 : vector<16xf32> to vector<16xi32>
        %mul3A_212 = arith.constant 16 : i32
        %mul3A_213 = vector.broadcast %mul3A_212 : i32 to vector<16xi32>
        %mul3A_214 = arith.muli %convert_element_type3A_211, %mul3A_213 : vector<16xi32>
        %add3A_215 = arith.addi %mul3A_214, %iota3A : vector<16xi32>
        %sub3A_216 = arith.subf %get3A_124, %get3A_3 : vector<16xf32>
        %mul3A_217 = arith.mulf %sub3A_216, %get3A_5 : vector<16xf32>
        %convert_element_type3A_218 = arith.fptosi %mul3A_217 : vector<16xf32> to vector<16xi32>
        %mul3A_219 = arith.constant 16 : i32
        %mul3A_220 = vector.broadcast %mul3A_219 : i32 to vector<16xi32>
        %mul3A_221 = arith.muli %convert_element_type3A_218, %mul3A_220 : vector<16xi32>
        %add3A_222 = arith.addi %mul3A_221, %iota3A : vector<16xi32>
        %sub3A_223 = arith.subf %get3A_130, %get3A_3 : vector<16xf32>
        %mul3A_224 = arith.mulf %sub3A_223, %get3A_5 : vector<16xf32>
        %convert_element_type3A_225 = arith.fptosi %mul3A_224 : vector<16xf32> to vector<16xi32>
        %mul3A_226 = arith.constant 16 : i32
        %mul3A_227 = vector.broadcast %mul3A_226 : i32 to vector<16xi32>
        %mul3A_228 = arith.muli %convert_element_type3A_225, %mul3A_227 : vector<16xi32>
        %add3A_229 = arith.addi %mul3A_228, %iota3A : vector<16xi32>
        %sub3A_230 = arith.subf %get3A_136, %get3A_3 : vector<16xf32>
        %mul3A_231 = arith.mulf %sub3A_230, %get3A_5 : vector<16xf32>
        %convert_element_type3A_232 = arith.fptosi %mul3A_231 : vector<16xf32> to vector<16xi32>
        %mul3A_233 = arith.constant 16 : i32
        %mul3A_234 = vector.broadcast %mul3A_233 : i32 to vector<16xi32>
        %mul3A_235 = arith.muli %convert_element_type3A_232, %mul3A_234 : vector<16xi32>
        %add3A_236 = arith.addi %mul3A_235, %iota3A : vector<16xi32>
        %sub3A_237 = arith.subf %get3A_142, %get3A_3 : vector<16xf32>
        %mul3A_238 = arith.mulf %sub3A_237, %get3A_5 : vector<16xf32>
        %convert_element_type3A_239 = arith.fptosi %mul3A_238 : vector<16xf32> to vector<16xi32>
        %mul3A_240 = arith.constant 16 : i32
        %mul3A_241 = vector.broadcast %mul3A_240 : i32 to vector<16xi32>
        %mul3A_242 = arith.muli %convert_element_type3A_239, %mul3A_241 : vector<16xi32>
        %add3A_243 = arith.addi %mul3A_242, %iota3A : vector<16xi32>
        %sub3A_244 = arith.subf %get3A_148, %get3A_3 : vector<16xf32>
        %mul3A_245 = arith.mulf %sub3A_244, %get3A_5 : vector<16xf32>
        %convert_element_type3A_246 = arith.fptosi %mul3A_245 : vector<16xf32> to vector<16xi32>
        %mul3A_247 = arith.constant 16 : i32
        %mul3A_248 = vector.broadcast %mul3A_247 : i32 to vector<16xi32>
        %mul3A_249 = arith.muli %convert_element_type3A_246, %mul3A_248 : vector<16xi32>
        %add3A_250 = arith.addi %mul3A_249, %iota3A : vector<16xi32>
        %sub3A_251 = arith.subf %get3A_154, %get3A_3 : vector<16xf32>
        %mul3A_252 = arith.mulf %sub3A_251, %get3A_5 : vector<16xf32>
        %convert_element_type3A_253 = arith.fptosi %mul3A_252 : vector<16xf32> to vector<16xi32>
        %mul3A_254 = arith.constant 16 : i32
        %mul3A_255 = vector.broadcast %mul3A_254 : i32 to vector<16xi32>
        %mul3A_256 = arith.muli %convert_element_type3A_253, %mul3A_255 : vector<16xi32>
        %add3A_257 = arith.addi %mul3A_256, %iota3A : vector<16xi32>
        %sub3A_258 = arith.subf %get3A_160, %get3A_3 : vector<16xf32>
        %mul3A_259 = arith.mulf %sub3A_258, %get3A_5 : vector<16xf32>
        %convert_element_type3A_260 = arith.fptosi %mul3A_259 : vector<16xf32> to vector<16xi32>
        %mul3A_261 = arith.constant 16 : i32
        %mul3A_262 = vector.broadcast %mul3A_261 : i32 to vector<16xi32>
        %mul3A_263 = arith.muli %convert_element_type3A_260, %mul3A_262 : vector<16xi32>
        %add3A_264 = arith.addi %mul3A_263, %iota3A : vector<16xi32>
        %sub3A_265 = arith.subf %get3A_166, %get3A_3 : vector<16xf32>
        %mul3A_266 = arith.mulf %sub3A_265, %get3A_5 : vector<16xf32>
        %convert_element_type3A_267 = arith.fptosi %mul3A_266 : vector<16xf32> to vector<16xi32>
        %mul3A_268 = arith.constant 16 : i32
        %mul3A_269 = vector.broadcast %mul3A_268 : i32 to vector<16xi32>
        %mul3A_270 = arith.muli %convert_element_type3A_267, %mul3A_269 : vector<16xi32>
        %add3A_271 = arith.addi %mul3A_270, %iota3A : vector<16xi32>
        %sub3A_272 = arith.subf %get3A_172, %get3A_3 : vector<16xf32>
        %mul3A_273 = arith.mulf %sub3A_272, %get3A_5 : vector<16xf32>
        %convert_element_type3A_274 = arith.fptosi %mul3A_273 : vector<16xf32> to vector<16xi32>
        %mul3A_275 = arith.constant 16 : i32
        %mul3A_276 = vector.broadcast %mul3A_275 : i32 to vector<16xi32>
        %mul3A_277 = arith.muli %convert_element_type3A_274, %mul3A_276 : vector<16xi32>
        %add3A_278 = arith.addi %mul3A_277, %iota3A : vector<16xi32>
        %sub3A_279 = arith.subf %get3A_178, %get3A_3 : vector<16xf32>
        %mul3A_280 = arith.mulf %sub3A_279, %get3A_5 : vector<16xf32>
        %convert_element_type3A_281 = arith.fptosi %mul3A_280 : vector<16xf32> to vector<16xi32>
        %mul3A_282 = arith.constant 16 : i32
        %mul3A_283 = vector.broadcast %mul3A_282 : i32 to vector<16xi32>
        %mul3A_284 = arith.muli %convert_element_type3A_281, %mul3A_283 : vector<16xi32>
        %add3A_285 = arith.addi %mul3A_284, %iota3A : vector<16xi32>
        %sub3A_286 = arith.subf %get3A_184, %get3A_3 : vector<16xf32>
        %mul3A_287 = arith.mulf %sub3A_286, %get3A_5 : vector<16xf32>
        %convert_element_type3A_288 = arith.fptosi %mul3A_287 : vector<16xf32> to vector<16xi32>
        %mul3A_289 = arith.constant 16 : i32
        %mul3A_290 = vector.broadcast %mul3A_289 : i32 to vector<16xi32>
        %mul3A_291 = arith.muli %convert_element_type3A_288, %mul3A_290 : vector<16xi32>
        %add3A_292 = arith.addi %mul3A_291, %iota3A : vector<16xi32>
        %sub3A_293 = arith.subf %get3A_190, %get3A_3 : vector<16xf32>
        %mul3A_294 = arith.mulf %sub3A_293, %get3A_5 : vector<16xf32>
        %convert_element_type3A_295 = arith.fptosi %mul3A_294 : vector<16xf32> to vector<16xi32>
        %mul3A_296 = arith.constant 16 : i32
        %mul3A_297 = vector.broadcast %mul3A_296 : i32 to vector<16xi32>
        %mul3A_298 = arith.muli %convert_element_type3A_295, %mul3A_297 : vector<16xi32>
        %add3A_299 = arith.addi %mul3A_298, %iota3A : vector<16xi32>
        %sub3A_300 = arith.subf %get3A_196, %get3A_3 : vector<16xf32>
        %mul3A_301 = arith.mulf %sub3A_300, %get3A_5 : vector<16xf32>
        %convert_element_type3A_302 = arith.fptosi %mul3A_301 : vector<16xf32> to vector<16xi32>
        %mul3A_303 = arith.constant 16 : i32
        %mul3A_304 = vector.broadcast %mul3A_303 : i32 to vector<16xi32>
        %mul3A_305 = arith.muli %convert_element_type3A_302, %mul3A_304 : vector<16xi32>
        %add3A_306 = arith.addi %mul3A_305, %iota3A : vector<16xi32>
        %sub3A_307 = arith.subf %get3A_202, %get3A_3 : vector<16xf32>
        %mul3A_308 = arith.mulf %sub3A_307, %get3A_5 : vector<16xf32>
        %convert_element_type3A_309 = arith.fptosi %mul3A_308 : vector<16xf32> to vector<16xi32>
        %mul3A_310 = arith.constant 16 : i32
        %mul3A_311 = vector.broadcast %mul3A_310 : i32 to vector<16xi32>
        %mul3A_312 = arith.muli %convert_element_type3A_309, %mul3A_311 : vector<16xi32>
        %add3A_313 = arith.addi %mul3A_312, %iota3A : vector<16xi32>
        tpu.vector_store_idx %arg6[%add3A_208], %broadcast_in_dim3A_6 {add = true} : memref<28672xf32, #tpu.memory_space<vmem>>[vector<16xi32>], vector<16xf32>,
        tpu.vector_store_idx %arg7[%add3A_264], %broadcast_in_dim3A_6 {add = true} : memref<28672xf32, #tpu.memory_space<vmem>>[vector<16xi32>], vector<16xf32>,
        tpu.vector_store_idx %arg6[%add3A_215], %broadcast_in_dim3A_6 {add = true} : memref<28672xf32, #tpu.memory_space<vmem>>[vector<16xi32>], vector<16xf32>,
        tpu.vector_store_idx %arg7[%add3A_271], %broadcast_in_dim3A_6 {add = true} : memref<28672xf32, #tpu.memory_space<vmem>>[vector<16xi32>], vector<16xf32>,
        tpu.vector_store_idx %arg6[%add3A_222], %broadcast_in_dim3A_6 {add = true} : memref<28672xf32, #tpu.memory_space<vmem>>[vector<16xi32>], vector<16xf32>,
        tpu.vector_store_idx %arg7[%add3A_278], %broadcast_in_dim3A_6 {add = true} : memref<28672xf32, #tpu.memory_space<vmem>>[vector<16xi32>], vector<16xf32>,
        tpu.vector_store_idx %arg6[%add3A_229], %broadcast_in_dim3A_6 {add = true} : memref<28672xf32, #tpu.memory_space<vmem>>[vector<16xi32>], vector<16xf32>,
        tpu.vector_store_idx %arg7[%add3A_285], %broadcast_in_dim3A_6 {add = true} : memref<28672xf32, #tpu.memory_space<vmem>>[vector<16xi32>], vector<16xf32>,
        tpu.vector_store_idx %arg6[%add3A_236], %broadcast_in_dim3A_6 {add = true} : memref<28672xf32, #tpu.memory_space<vmem>>[vector<16xi32>], vector<16xf32>,
        tpu.vector_store_idx %arg7[%add3A_292], %broadcast_in_dim3A_6 {add = true} : memref<28672xf32, #tpu.memory_space<vmem>>[vector<16xi32>], vector<16xf32>,
        tpu.vector_store_idx %arg6[%add3A_243], %broadcast_in_dim3A_6 {add = true} : memref<28672xf32, #tpu.memory_space<vmem>>[vector<16xi32>], vector<16xf32>,
        tpu.vector_store_idx %arg7[%add3A_299], %broadcast_in_dim3A_6 {add = true} : memref<28672xf32, #tpu.memory_space<vmem>>[vector<16xi32>], vector<16xf32>,
        tpu.vector_store_idx %arg6[%add3A_250], %broadcast_in_dim3A_6 {add = true} : memref<28672xf32, #tpu.memory_space<vmem>>[vector<16xi32>], vector<16xf32>,
        tpu.vector_store_idx %arg7[%add3A_306], %broadcast_in_dim3A_6 {add = true} : memref<28672xf32, #tpu.memory_space<vmem>>[vector<16xi32>], vector<16xf32>,
        tpu.vector_store_idx %arg6[%add3A_257], %broadcast_in_dim3A_6 {add = true} : memref<28672xf32, #tpu.memory_space<vmem>>[vector<16xi32>], vector<16xf32>,
        tpu.vector_store_idx %arg7[%add3A_313], %broadcast_in_dim3A_6 {add = true} : memref<28672xf32, #tpu.memory_space<vmem>>[vector<16xi32>], vector<16xf32>,
      }
      %scan3A_70 = arith.constant 64 : i32
      %add3A_71 = arith.constant 2 : i32
      %add3A_72 = arith.addi %mul3A_51, %add3A_71 : i32
      %lt3A = arith.constant 32 : i32
      %lt3A_73 = arith.cmpi slt, %add3A_72, %lt3A : i32
      %convert_element_type3A = arith.extui %lt3A_73 : i1 to i32
      %cond3A = arith.constant 0 : i32
      %cond3A_74 = arith.cmpi ne, %convert_element_type3A, %cond3A : i32
      scf.if %cond3A_74 {
        %add3A_106 = arith.constant 2 : i32
        %add3A_107 = arith.addi %mul3A_51, %add3A_106 : i32
        %mul3A_108 = arith.constant 8 : i32
        %mul3A_109 = arith.muli %add3A_107, %mul3A_108 : i32
        %add3A_110 = arith.addi %mul3A_2, %mul3A_109 : i32
        %dma_start3A_111 = arith.constant 0 : i32
        %dma_start3A_112 = tpu.memref_slice %arg2[%add3A_110, %dma_start3A_111] : memref<8192x1024xf32, #tpu.memory_space<hbm>> -> memref<8x1024xf32, #tpu.memory_space<hbm>>
        %dma_start3A_113 = arith.constant 0 : i32
        %dma_start3A_114 = tpu.memref_slice %arg2[%add3A_110, %dma_start3A_113] : memref<8192x1024xf32, #tpu.memory_space<hbm>> -> memref<8x1024xf32, #tpu.memory_space<hbm>>
        tpu.enqueue_dma source(%dma_start3A_114 : memref<8x1024xf32, #tpu.memory_space<hbm>>) target(%arg8 : memref<8x1024xf32, #tpu.memory_space<vmem>>) target_semaphore(%arg14 : memref<!tpu.dma_semaphore, #tpu.memory_space<semaphore_mem>>)
        %add3A_115 = arith.constant 2 : i32
        %add3A_116 = arith.addi %mul3A_51, %add3A_115 : i32
        %mul3A_117 = arith.constant 8 : i32
        %mul3A_118 = arith.muli %add3A_116, %mul3A_117 : i32
        %add3A_119 = arith.addi %mul3A_2, %mul3A_118 : i32
        %dma_start3A_120 = arith.constant 0 : i32
        %dma_start3A_121 = tpu.memref_slice %arg3[%add3A_119, %dma_start3A_120] : memref<8192x1024xf32, #tpu.memory_space<hbm>> -> memref<8x1024xf32, #tpu.memory_space<hbm>>
        %dma_start3A_122 = arith.constant 0 : i32
        %dma_start3A_123 = tpu.memref_slice %arg3[%add3A_119, %dma_start3A_122] : memref<8192x1024xf32, #tpu.memory_space<hbm>> -> memref<8x1024xf32, #tpu.memory_space<hbm>>
        tpu.enqueue_dma source(%dma_start3A_123 : memref<8x1024xf32, #tpu.memory_space<hbm>>) target(%arg10 : memref<8x1024xf32, #tpu.memory_space<vmem>>) target_semaphore(%arg16 : memref<!tpu.dma_semaphore, #tpu.memory_space<semaphore_mem>>)
      } else {
      }
      %add3A_75 = arith.constant 1 : i32
      %add3A_76 = arith.addi %mul3A_51, %add3A_75 : i32
      %mul3A_77 = arith.constant 8 : i32
      %mul3A_78 = arith.muli %add3A_76, %mul3A_77 : i32
      %add3A_79 = arith.addi %mul3A_2, %mul3A_78 : i32
      %dma_wait3A_80 = arith.constant 0 : i32
      %dma_wait3A_81 = tpu.memref_slice %arg2[%add3A_79, %dma_wait3A_80] : memref<8192x1024xf32, #tpu.memory_space<hbm>> -> memref<8x1024xf32, #tpu.memory_space<hbm>>
      %dma_wait3A_82 = arith.constant 0 : i32
      %dma_wait3A_83 = tpu.memref_slice %arg2[%add3A_79, %dma_wait3A_82] : memref<8192x1024xf32, #tpu.memory_space<hbm>> -> memref<8x1024xf32, #tpu.memory_space<hbm>>
      tpu.wait_dma2 semaphore(%arg15 : memref<!tpu.dma_semaphore, #tpu.memory_space<semaphore_mem>>) src(%dma_wait3A_83 : memref<8x1024xf32, #tpu.memory_space<hbm>>) dst(%arg9 : memref<8x1024xf32, #tpu.memory_space<vmem>>)
      %add3A_84 = arith.constant 1 : i32
      %add3A_85 = arith.addi %mul3A_51, %add3A_84 : i32
      %mul3A_86 = arith.constant 8 : i32
      %mul3A_87 = arith.muli %add3A_85, %mul3A_86 : i32
      %add3A_88 = arith.addi %mul3A_2, %mul3A_87 : i32
      %dma_wait3A_89 = arith.constant 0 : i32
      %dma_wait3A_90 = tpu.memref_slice %arg3[%add3A_88, %dma_wait3A_89] : memref<8192x1024xf32, #tpu.memory_space<hbm>> -> memref<8x1024xf32, #tpu.memory_space<hbm>>
      %dma_wait3A_91 = arith.constant 0 : i32
      %dma_wait3A_92 = tpu.memref_slice %arg3[%add3A_88, %dma_wait3A_91] : memref<8192x1024xf32, #tpu.memory_space<hbm>> -> memref<8x1024xf32, #tpu.memory_space<hbm>>
      tpu.wait_dma2 semaphore(%arg17 : memref<!tpu.dma_semaphore, #tpu.memory_space<semaphore_mem>>) src(%dma_wait3A_92 : memref<8x1024xf32, #tpu.memory_space<hbm>>) dst(%arg11 : memref<8x1024xf32, #tpu.memory_space<vmem>>)
      %scan3A_93 = arith.constant 0 : i32
      %scan3A_94 = arith.constant 0 : i32
      %scan3A_95 = arith.constant 64 : i32
      %scan3A_96 = arith.addi %scan3A_94, %scan3A_95 : i32
      %scan3A_97 = arith.constant 1 : i32
      scf.for %scan3A_106 = %scan3A_94 to %scan3A_96 step %scan3A_97  : i32 {
        %mul3A_107 = arith.constant 16 : i32
        %mul3A_108 = arith.muli %scan3A_106, %mul3A_107 : i32
        %get3A_109 = arith.constant 0 : i32
        %get3A_110 = arith.index_cast %get3A_109 : i32 to index
        %get3A_111 = arith.index_cast %mul3A_108 : i32 to index
        %get3A_112 = tpu.vector_load %arg9[%get3A_110, %get3A_111] {strides = array<i32>} : memref<8x1024xf32, #tpu.memory_space<vmem>>, vector<16xf32>,
        %mul3A_113 = arith.constant 16 : i32
        %mul3A_114 = arith.muli %scan3A_106, %mul3A_113 : i32
        %get3A_115 = arith.constant 1 : i32
        %get3A_116 = arith.index_cast %get3A_115 : i32 to index
        %get3A_117 = arith.index_cast %mul3A_114 : i32 to index
        %get3A_118 = tpu.vector_load %arg9[%get3A_116, %get3A_117] {strides = array<i32>} : memref<8x1024xf32, #tpu.memory_space<vmem>>, vector<16xf32>,
        %mul3A_119 = arith.constant 16 : i32
        %mul3A_120 = arith.muli %scan3A_106, %mul3A_119 : i32
        %get3A_121 = arith.constant 2 : i32
        %get3A_122 = arith.index_cast %get3A_121 : i32 to index
        %get3A_123 = arith.index_cast %mul3A_120 : i32 to index
        %get3A_124 = tpu.vector_load %arg9[%get3A_122, %get3A_123] {strides = array<i32>} : memref<8x1024xf32, #tpu.memory_space<vmem>>, vector<16xf32>,
        %mul3A_125 = arith.constant 16 : i32
        %mul3A_126 = arith.muli %scan3A_106, %mul3A_125 : i32
        %get3A_127 = arith.constant 3 : i32
        %get3A_128 = arith.index_cast %get3A_127 : i32 to index
        %get3A_129 = arith.index_cast %mul3A_126 : i32 to index
        %get3A_130 = tpu.vector_load %arg9[%get3A_128, %get3A_129] {strides = array<i32>} : memref<8x1024xf32, #tpu.memory_space<vmem>>, vector<16xf32>,
        %mul3A_131 = arith.constant 16 : i32
        %mul3A_132 = arith.muli %scan3A_106, %mul3A_131 : i32
        %get3A_133 = arith.constant 4 : i32
        %get3A_134 = arith.index_cast %get3A_133 : i32 to index
        %get3A_135 = arith.index_cast %mul3A_132 : i32 to index
        %get3A_136 = tpu.vector_load %arg9[%get3A_134, %get3A_135] {strides = array<i32>} : memref<8x1024xf32, #tpu.memory_space<vmem>>, vector<16xf32>,
        %mul3A_137 = arith.constant 16 : i32
        %mul3A_138 = arith.muli %scan3A_106, %mul3A_137 : i32
        %get3A_139 = arith.constant 5 : i32
        %get3A_140 = arith.index_cast %get3A_139 : i32 to index
        %get3A_141 = arith.index_cast %mul3A_138 : i32 to index
        %get3A_142 = tpu.vector_load %arg9[%get3A_140, %get3A_141] {strides = array<i32>} : memref<8x1024xf32, #tpu.memory_space<vmem>>, vector<16xf32>,
        %mul3A_143 = arith.constant 16 : i32
        %mul3A_144 = arith.muli %scan3A_106, %mul3A_143 : i32
        %get3A_145 = arith.constant 6 : i32
        %get3A_146 = arith.index_cast %get3A_145 : i32 to index
        %get3A_147 = arith.index_cast %mul3A_144 : i32 to index
        %get3A_148 = tpu.vector_load %arg9[%get3A_146, %get3A_147] {strides = array<i32>} : memref<8x1024xf32, #tpu.memory_space<vmem>>, vector<16xf32>,
        %mul3A_149 = arith.constant 16 : i32
        %mul3A_150 = arith.muli %scan3A_106, %mul3A_149 : i32
        %get3A_151 = arith.constant 7 : i32
        %get3A_152 = arith.index_cast %get3A_151 : i32 to index
        %get3A_153 = arith.index_cast %mul3A_150 : i32 to index
        %get3A_154 = tpu.vector_load %arg9[%get3A_152, %get3A_153] {strides = array<i32>} : memref<8x1024xf32, #tpu.memory_space<vmem>>, vector<16xf32>,
        %mul3A_155 = arith.constant 16 : i32
        %mul3A_156 = arith.muli %scan3A_106, %mul3A_155 : i32
        %get3A_157 = arith.constant 0 : i32
        %get3A_158 = arith.index_cast %get3A_157 : i32 to index
        %get3A_159 = arith.index_cast %mul3A_156 : i32 to index
        %get3A_160 = tpu.vector_load %arg11[%get3A_158, %get3A_159] {strides = array<i32>} : memref<8x1024xf32, #tpu.memory_space<vmem>>, vector<16xf32>,
        %mul3A_161 = arith.constant 16 : i32
        %mul3A_162 = arith.muli %scan3A_106, %mul3A_161 : i32
        %get3A_163 = arith.constant 1 : i32
        %get3A_164 = arith.index_cast %get3A_163 : i32 to index
        %get3A_165 = arith.index_cast %mul3A_162 : i32 to index
        %get3A_166 = tpu.vector_load %arg11[%get3A_164, %get3A_165] {strides = array<i32>} : memref<8x1024xf32, #tpu.memory_space<vmem>>, vector<16xf32>,
        %mul3A_167 = arith.constant 16 : i32
        %mul3A_168 = arith.muli %scan3A_106, %mul3A_167 : i32
        %get3A_169 = arith.constant 2 : i32
        %get3A_170 = arith.index_cast %get3A_169 : i32 to index
        %get3A_171 = arith.index_cast %mul3A_168 : i32 to index
        %get3A_172 = tpu.vector_load %arg11[%get3A_170, %get3A_171] {strides = array<i32>} : memref<8x1024xf32, #tpu.memory_space<vmem>>, vector<16xf32>,
        %mul3A_173 = arith.constant 16 : i32
        %mul3A_174 = arith.muli %scan3A_106, %mul3A_173 : i32
        %get3A_175 = arith.constant 3 : i32
        %get3A_176 = arith.index_cast %get3A_175 : i32 to index
        %get3A_177 = arith.index_cast %mul3A_174 : i32 to index
        %get3A_178 = tpu.vector_load %arg11[%get3A_176, %get3A_177] {strides = array<i32>} : memref<8x1024xf32, #tpu.memory_space<vmem>>, vector<16xf32>,
        %mul3A_179 = arith.constant 16 : i32
        %mul3A_180 = arith.muli %scan3A_106, %mul3A_179 : i32
        %get3A_181 = arith.constant 4 : i32
        %get3A_182 = arith.index_cast %get3A_181 : i32 to index
        %get3A_183 = arith.index_cast %mul3A_180 : i32 to index
        %get3A_184 = tpu.vector_load %arg11[%get3A_182, %get3A_183] {strides = array<i32>} : memref<8x1024xf32, #tpu.memory_space<vmem>>, vector<16xf32>,
        %mul3A_185 = arith.constant 16 : i32
        %mul3A_186 = arith.muli %scan3A_106, %mul3A_185 : i32
        %get3A_187 = arith.constant 5 : i32
        %get3A_188 = arith.index_cast %get3A_187 : i32 to index
        %get3A_189 = arith.index_cast %mul3A_186 : i32 to index
        %get3A_190 = tpu.vector_load %arg11[%get3A_188, %get3A_189] {strides = array<i32>} : memref<8x1024xf32, #tpu.memory_space<vmem>>, vector<16xf32>,
        %mul3A_191 = arith.constant 16 : i32
        %mul3A_192 = arith.muli %scan3A_106, %mul3A_191 : i32
        %get3A_193 = arith.constant 6 : i32
        %get3A_194 = arith.index_cast %get3A_193 : i32 to index
        %get3A_195 = arith.index_cast %mul3A_192 : i32 to index
        %get3A_196 = tpu.vector_load %arg11[%get3A_194, %get3A_195] {strides = array<i32>} : memref<8x1024xf32, #tpu.memory_space<vmem>>, vector<16xf32>,
        %mul3A_197 = arith.constant 16 : i32
        %mul3A_198 = arith.muli %scan3A_106, %mul3A_197 : i32
        %get3A_199 = arith.constant 7 : i32
        %get3A_200 = arith.index_cast %get3A_199 : i32 to index
        %get3A_201 = arith.index_cast %mul3A_198 : i32 to index
        %get3A_202 = tpu.vector_load %arg11[%get3A_200, %get3A_201] {strides = array<i32>} : memref<8x1024xf32, #tpu.memory_space<vmem>>, vector<16xf32>,
        %sub3A = arith.subf %get3A_112, %get3A_3 : vector<16xf32>
        %mul3A_203 = arith.mulf %sub3A, %get3A_5 : vector<16xf32>
        %convert_element_type3A_204 = arith.fptosi %mul3A_203 : vector<16xf32> to vector<16xi32>
        %mul3A_205 = arith.constant 16 : i32
        %mul3A_206 = vector.broadcast %mul3A_205 : i32 to vector<16xi32>
        %mul3A_207 = arith.muli %convert_element_type3A_204, %mul3A_206 : vector<16xi32>
        %add3A_208 = arith.addi %mul3A_207, %iota3A : vector<16xi32>
        %sub3A_209 = arith.subf %get3A_118, %get3A_3 : vector<16xf32>
        %mul3A_210 = arith.mulf %sub3A_209, %get3A_5 : vector<16xf32>
        %convert_element_type3A_211 = arith.fptosi %mul3A_210 : vector<16xf32> to vector<16xi32>
        %mul3A_212 = arith.constant 16 : i32
        %mul3A_213 = vector.broadcast %mul3A_212 : i32 to vector<16xi32>
        %mul3A_214 = arith.muli %convert_element_type3A_211, %mul3A_213 : vector<16xi32>
        %add3A_215 = arith.addi %mul3A_214, %iota3A : vector<16xi32>
        %sub3A_216 = arith.subf %get3A_124, %get3A_3 : vector<16xf32>
        %mul3A_217 = arith.mulf %sub3A_216, %get3A_5 : vector<16xf32>
        %convert_element_type3A_218 = arith.fptosi %mul3A_217 : vector<16xf32> to vector<16xi32>
        %mul3A_219 = arith.constant 16 : i32
        %mul3A_220 = vector.broadcast %mul3A_219 : i32 to vector<16xi32>
        %mul3A_221 = arith.muli %convert_element_type3A_218, %mul3A_220 : vector<16xi32>
        %add3A_222 = arith.addi %mul3A_221, %iota3A : vector<16xi32>
        %sub3A_223 = arith.subf %get3A_130, %get3A_3 : vector<16xf32>
        %mul3A_224 = arith.mulf %sub3A_223, %get3A_5 : vector<16xf32>
        %convert_element_type3A_225 = arith.fptosi %mul3A_224 : vector<16xf32> to vector<16xi32>
        %mul3A_226 = arith.constant 16 : i32
        %mul3A_227 = vector.broadcast %mul3A_226 : i32 to vector<16xi32>
        %mul3A_228 = arith.muli %convert_element_type3A_225, %mul3A_227 : vector<16xi32>
        %add3A_229 = arith.addi %mul3A_228, %iota3A : vector<16xi32>
        %sub3A_230 = arith.subf %get3A_136, %get3A_3 : vector<16xf32>
        %mul3A_231 = arith.mulf %sub3A_230, %get3A_5 : vector<16xf32>
        %convert_element_type3A_232 = arith.fptosi %mul3A_231 : vector<16xf32> to vector<16xi32>
        %mul3A_233 = arith.constant 16 : i32
        %mul3A_234 = vector.broadcast %mul3A_233 : i32 to vector<16xi32>
        %mul3A_235 = arith.muli %convert_element_type3A_232, %mul3A_234 : vector<16xi32>
        %add3A_236 = arith.addi %mul3A_235, %iota3A : vector<16xi32>
        %sub3A_237 = arith.subf %get3A_142, %get3A_3 : vector<16xf32>
        %mul3A_238 = arith.mulf %sub3A_237, %get3A_5 : vector<16xf32>
        %convert_element_type3A_239 = arith.fptosi %mul3A_238 : vector<16xf32> to vector<16xi32>
        %mul3A_240 = arith.constant 16 : i32
        %mul3A_241 = vector.broadcast %mul3A_240 : i32 to vector<16xi32>
        %mul3A_242 = arith.muli %convert_element_type3A_239, %mul3A_241 : vector<16xi32>
        %add3A_243 = arith.addi %mul3A_242, %iota3A : vector<16xi32>
        %sub3A_244 = arith.subf %get3A_148, %get3A_3 : vector<16xf32>
        %mul3A_245 = arith.mulf %sub3A_244, %get3A_5 : vector<16xf32>
        %convert_element_type3A_246 = arith.fptosi %mul3A_245 : vector<16xf32> to vector<16xi32>
        %mul3A_247 = arith.constant 16 : i32
        %mul3A_248 = vector.broadcast %mul3A_247 : i32 to vector<16xi32>
        %mul3A_249 = arith.muli %convert_element_type3A_246, %mul3A_248 : vector<16xi32>
        %add3A_250 = arith.addi %mul3A_249, %iota3A : vector<16xi32>
        %sub3A_251 = arith.subf %get3A_154, %get3A_3 : vector<16xf32>
        %mul3A_252 = arith.mulf %sub3A_251, %get3A_5 : vector<16xf32>
        %convert_element_type3A_253 = arith.fptosi %mul3A_252 : vector<16xf32> to vector<16xi32>
        %mul3A_254 = arith.constant 16 : i32
        %mul3A_255 = vector.broadcast %mul3A_254 : i32 to vector<16xi32>
        %mul3A_256 = arith.muli %convert_element_type3A_253, %mul3A_255 : vector<16xi32>
        %add3A_257 = arith.addi %mul3A_256, %iota3A : vector<16xi32>
        %sub3A_258 = arith.subf %get3A_160, %get3A_3 : vector<16xf32>
        %mul3A_259 = arith.mulf %sub3A_258, %get3A_5 : vector<16xf32>
        %convert_element_type3A_260 = arith.fptosi %mul3A_259 : vector<16xf32> to vector<16xi32>
        %mul3A_261 = arith.constant 16 : i32
        %mul3A_262 = vector.broadcast %mul3A_261 : i32 to vector<16xi32>
        %mul3A_263 = arith.muli %convert_element_type3A_260, %mul3A_262 : vector<16xi32>
        %add3A_264 = arith.addi %mul3A_263, %iota3A : vector<16xi32>
        %sub3A_265 = arith.subf %get3A_166, %get3A_3 : vector<16xf32>
        %mul3A_266 = arith.mulf %sub3A_265, %get3A_5 : vector<16xf32>
        %convert_element_type3A_267 = arith.fptosi %mul3A_266 : vector<16xf32> to vector<16xi32>
        %mul3A_268 = arith.constant 16 : i32
        %mul3A_269 = vector.broadcast %mul3A_268 : i32 to vector<16xi32>
        %mul3A_270 = arith.muli %convert_element_type3A_267, %mul3A_269 : vector<16xi32>
        %add3A_271 = arith.addi %mul3A_270, %iota3A : vector<16xi32>
        %sub3A_272 = arith.subf %get3A_172, %get3A_3 : vector<16xf32>
        %mul3A_273 = arith.mulf %sub3A_272, %get3A_5 : vector<16xf32>
        %convert_element_type3A_274 = arith.fptosi %mul3A_273 : vector<16xf32> to vector<16xi32>
        %mul3A_275 = arith.constant 16 : i32
        %mul3A_276 = vector.broadcast %mul3A_275 : i32 to vector<16xi32>
        %mul3A_277 = arith.muli %convert_element_type3A_274, %mul3A_276 : vector<16xi32>
        %add3A_278 = arith.addi %mul3A_277, %iota3A : vector<16xi32>
        %sub3A_279 = arith.subf %get3A_178, %get3A_3 : vector<16xf32>
        %mul3A_280 = arith.mulf %sub3A_279, %get3A_5 : vector<16xf32>
        %convert_element_type3A_281 = arith.fptosi %mul3A_280 : vector<16xf32> to vector<16xi32>
        %mul3A_282 = arith.constant 16 : i32
        %mul3A_283 = vector.broadcast %mul3A_282 : i32 to vector<16xi32>
        %mul3A_284 = arith.muli %convert_element_type3A_281, %mul3A_283 : vector<16xi32>
        %add3A_285 = arith.addi %mul3A_284, %iota3A : vector<16xi32>
        %sub3A_286 = arith.subf %get3A_184, %get3A_3 : vector<16xf32>
        %mul3A_287 = arith.mulf %sub3A_286, %get3A_5 : vector<16xf32>
        %convert_element_type3A_288 = arith.fptosi %mul3A_287 : vector<16xf32> to vector<16xi32>
        %mul3A_289 = arith.constant 16 : i32
        %mul3A_290 = vector.broadcast %mul3A_289 : i32 to vector<16xi32>
        %mul3A_291 = arith.muli %convert_element_type3A_288, %mul3A_290 : vector<16xi32>
        %add3A_292 = arith.addi %mul3A_291, %iota3A : vector<16xi32>
        %sub3A_293 = arith.subf %get3A_190, %get3A_3 : vector<16xf32>
        %mul3A_294 = arith.mulf %sub3A_293, %get3A_5 : vector<16xf32>
        %convert_element_type3A_295 = arith.fptosi %mul3A_294 : vector<16xf32> to vector<16xi32>
        %mul3A_296 = arith.constant 16 : i32
        %mul3A_297 = vector.broadcast %mul3A_296 : i32 to vector<16xi32>
        %mul3A_298 = arith.muli %convert_element_type3A_295, %mul3A_297 : vector<16xi32>
        %add3A_299 = arith.addi %mul3A_298, %iota3A : vector<16xi32>
        %sub3A_300 = arith.subf %get3A_196, %get3A_3 : vector<16xf32>
        %mul3A_301 = arith.mulf %sub3A_300, %get3A_5 : vector<16xf32>
        %convert_element_type3A_302 = arith.fptosi %mul3A_301 : vector<16xf32> to vector<16xi32>
        %mul3A_303 = arith.constant 16 : i32
        %mul3A_304 = vector.broadcast %mul3A_303 : i32 to vector<16xi32>
        %mul3A_305 = arith.muli %convert_element_type3A_302, %mul3A_304 : vector<16xi32>
        %add3A_306 = arith.addi %mul3A_305, %iota3A : vector<16xi32>
        %sub3A_307 = arith.subf %get3A_202, %get3A_3 : vector<16xf32>
        %mul3A_308 = arith.mulf %sub3A_307, %get3A_5 : vector<16xf32>
        %convert_element_type3A_309 = arith.fptosi %mul3A_308 : vector<16xf32> to vector<16xi32>
        %mul3A_310 = arith.constant 16 : i32
        %mul3A_311 = vector.broadcast %mul3A_310 : i32 to vector<16xi32>
        %mul3A_312 = arith.muli %convert_element_type3A_309, %mul3A_311 : vector<16xi32>
        %add3A_313 = arith.addi %mul3A_312, %iota3A : vector<16xi32>
        tpu.vector_store_idx %arg6[%add3A_208], %broadcast_in_dim3A_6 {add = true} : memref<28672xf32, #tpu.memory_space<vmem>>[vector<16xi32>], vector<16xf32>,
        tpu.vector_store_idx %arg7[%add3A_264], %broadcast_in_dim3A_6 {add = true} : memref<28672xf32, #tpu.memory_space<vmem>>[vector<16xi32>], vector<16xf32>,
        tpu.vector_store_idx %arg6[%add3A_215], %broadcast_in_dim3A_6 {add = true} : memref<28672xf32, #tpu.memory_space<vmem>>[vector<16xi32>], vector<16xf32>,
        tpu.vector_store_idx %arg7[%add3A_271], %broadcast_in_dim3A_6 {add = true} : memref<28672xf32, #tpu.memory_space<vmem>>[vector<16xi32>], vector<16xf32>,
        tpu.vector_store_idx %arg6[%add3A_222], %broadcast_in_dim3A_6 {add = true} : memref<28672xf32, #tpu.memory_space<vmem>>[vector<16xi32>], vector<16xf32>,
        tpu.vector_store_idx %arg7[%add3A_278], %broadcast_in_dim3A_6 {add = true} : memref<28672xf32, #tpu.memory_space<vmem>>[vector<16xi32>], vector<16xf32>,
        tpu.vector_store_idx %arg6[%add3A_229], %broadcast_in_dim3A_6 {add = true} : memref<28672xf32, #tpu.memory_space<vmem>>[vector<16xi32>], vector<16xf32>,
        tpu.vector_store_idx %arg7[%add3A_285], %broadcast_in_dim3A_6 {add = true} : memref<28672xf32, #tpu.memory_space<vmem>>[vector<16xi32>], vector<16xf32>,
        tpu.vector_store_idx %arg6[%add3A_236], %broadcast_in_dim3A_6 {add = true} : memref<28672xf32, #tpu.memory_space<vmem>>[vector<16xi32>], vector<16xf32>,
        tpu.vector_store_idx %arg7[%add3A_292], %broadcast_in_dim3A_6 {add = true} : memref<28672xf32, #tpu.memory_space<vmem>>[vector<16xi32>], vector<16xf32>,
        tpu.vector_store_idx %arg6[%add3A_243], %broadcast_in_dim3A_6 {add = true} : memref<28672xf32, #tpu.memory_space<vmem>>[vector<16xi32>], vector<16xf32>,
        tpu.vector_store_idx %arg7[%add3A_299], %broadcast_in_dim3A_6 {add = true} : memref<28672xf32, #tpu.memory_space<vmem>>[vector<16xi32>], vector<16xf32>,
        tpu.vector_store_idx %arg6[%add3A_250], %broadcast_in_dim3A_6 {add = true} : memref<28672xf32, #tpu.memory_space<vmem>>[vector<16xi32>], vector<16xf32>,
        tpu.vector_store_idx %arg7[%add3A_306], %broadcast_in_dim3A_6 {add = true} : memref<28672xf32, #tpu.memory_space<vmem>>[vector<16xi32>], vector<16xf32>,
        tpu.vector_store_idx %arg6[%add3A_257], %broadcast_in_dim3A_6 {add = true} : memref<28672xf32, #tpu.memory_space<vmem>>[vector<16xi32>], vector<16xf32>,
        tpu.vector_store_idx %arg7[%add3A_313], %broadcast_in_dim3A_6 {add = true} : memref<28672xf32, #tpu.memory_space<vmem>>[vector<16xi32>], vector<16xf32>,
      }
      %scan3A_98 = arith.constant 64 : i32
      %add3A_99 = arith.constant 3 : i32
      %add3A_100 = arith.addi %mul3A_51, %add3A_99 : i32
      %lt3A_101 = arith.constant 32 : i32
      %lt3A_102 = arith.cmpi slt, %add3A_100, %lt3A_101 : i32
      %convert_element_type3A_103 = arith.extui %lt3A_102 : i1 to i32
      %cond3A_104 = arith.constant 0 : i32
      %cond3A_105 = arith.cmpi ne, %convert_element_type3A_103, %cond3A_104 : i32
      scf.if %cond3A_105 {
        %add3A_106 = arith.constant 3 : i32
        %add3A_107 = arith.addi %mul3A_51, %add3A_106 : i32
        %mul3A_108 = arith.constant 8 : i32
        %mul3A_109 = arith.muli %add3A_107, %mul3A_108 : i32
        %add3A_110 = arith.addi %mul3A_2, %mul3A_109 : i32
        %dma_start3A_111 = arith.constant 0 : i32
        %dma_start3A_112 = tpu.memref_slice %arg2[%add3A_110, %dma_start3A_111] : memref<8192x1024xf32, #tpu.memory_space<hbm>> -> memref<8x1024xf32, #tpu.memory_space<hbm>>
        %dma_start3A_113 = arith.constant 0 : i32
        %dma_start3A_114 = tpu.memref_slice %arg2[%add3A_110, %dma_start3A_113] : memref<8192x1024xf32, #tpu.memory_space<hbm>> -> memref<8x1024xf32, #tpu.memory_space<hbm>>
        tpu.enqueue_dma source(%dma_start3A_114 : memref<8x1024xf32, #tpu.memory_space<hbm>>) target(%arg9 : memref<8x1024xf32, #tpu.memory_space<vmem>>) target_semaphore(%arg15 : memref<!tpu.dma_semaphore, #tpu.memory_space<semaphore_mem>>)
        %add3A_115 = arith.constant 3 : i32
        %add3A_116 = arith.addi %mul3A_51, %add3A_115 : i32
        %mul3A_117 = arith.constant 8 : i32
        %mul3A_118 = arith.muli %add3A_116, %mul3A_117 : i32
        %add3A_119 = arith.addi %mul3A_2, %mul3A_118 : i32
        %dma_start3A_120 = arith.constant 0 : i32
        %dma_start3A_121 = tpu.memref_slice %arg3[%add3A_119, %dma_start3A_120] : memref<8192x1024xf32, #tpu.memory_space<hbm>> -> memref<8x1024xf32, #tpu.memory_space<hbm>>
        %dma_start3A_122 = arith.constant 0 : i32
        %dma_start3A_123 = tpu.memref_slice %arg3[%add3A_119, %dma_start3A_122] : memref<8192x1024xf32, #tpu.memory_space<hbm>> -> memref<8x1024xf32, #tpu.memory_space<hbm>>
        tpu.enqueue_dma source(%dma_start3A_123 : memref<8x1024xf32, #tpu.memory_space<hbm>>) target(%arg11 : memref<8x1024xf32, #tpu.memory_space<vmem>>) target_semaphore(%arg17 : memref<!tpu.dma_semaphore, #tpu.memory_space<semaphore_mem>>)
      } else {
      }
    }
    %scan3A_42 = arith.constant 16 : i32
    %scan3A_43 = arith.constant 0 : i32
    %scan3A_44 = arith.constant 0 : i32
    %scan3A_45 = arith.constant 112 : i32
    %scan3A_46 = arith.addi %scan3A_44, %scan3A_45 : i32
    %scan3A_47 = arith.constant 1 : i32
    scf.for %scan3A_49 = %scan3A_44 to %scan3A_46 step %scan3A_47  : i32 {
      %mul3A_50 = arith.constant 16 : i32
      %mul3A_51 = arith.muli %scan3A_49, %mul3A_50 : i32
      %add3A_52 = vector.broadcast %mul3A_51 : i32 to vector<16xi32>
      %add3A_53 = arith.addi %add3A_52, %iota3A : vector<16xi32>
      %mul3A_54 = arith.constant 16 : i32
      %mul3A_55 = vector.broadcast %mul3A_54 : i32 to vector<16xi32>
      %mul3A_56 = arith.muli %add3A_53, %mul3A_55 : vector<16xi32>
      %add3A_57 = arith.constant 0 : i32
      %add3A_58 = vector.broadcast %add3A_57 : i32 to vector<16xi32>
      %add3A_59 = arith.addi %mul3A_56, %add3A_58 : vector<16xi32>
      %gather3A = tpu.vector_load_idx %arg6[%add3A_59] : memref<28672xf32, #tpu.memory_space<vmem>>[vector<16xi32>], vector<16xf32>,
      %add3A_60 = arith.constant 1 : i32
      %add3A_61 = vector.broadcast %add3A_60 : i32 to vector<16xi32>
      %add3A_62 = arith.addi %mul3A_56, %add3A_61 : vector<16xi32>
      %gather3A_63 = tpu.vector_load_idx %arg6[%add3A_62] : memref<28672xf32, #tpu.memory_space<vmem>>[vector<16xi32>], vector<16xf32>,
      %add3A_64 = arith.constant 2 : i32
      %add3A_65 = vector.broadcast %add3A_64 : i32 to vector<16xi32>
      %add3A_66 = arith.addi %mul3A_56, %add3A_65 : vector<16xi32>
      %gather3A_67 = tpu.vector_load_idx %arg6[%add3A_66] : memref<28672xf32, #tpu.memory_space<vmem>>[vector<16xi32>], vector<16xf32>,
      %add3A_68 = arith.constant 3 : i32
      %add3A_69 = vector.broadcast %add3A_68 : i32 to vector<16xi32>
      %add3A_70 = arith.addi %mul3A_56, %add3A_69 : vector<16xi32>
      %gather3A_71 = tpu.vector_load_idx %arg6[%add3A_70] : memref<28672xf32, #tpu.memory_space<vmem>>[vector<16xi32>], vector<16xf32>,
      %add3A_72 = arith.constant 4 : i32
      %add3A_73 = vector.broadcast %add3A_72 : i32 to vector<16xi32>
      %add3A_74 = arith.addi %mul3A_56, %add3A_73 : vector<16xi32>
      %gather3A_75 = tpu.vector_load_idx %arg6[%add3A_74] : memref<28672xf32, #tpu.memory_space<vmem>>[vector<16xi32>], vector<16xf32>,
      %add3A_76 = arith.constant 5 : i32
      %add3A_77 = vector.broadcast %add3A_76 : i32 to vector<16xi32>
      %add3A_78 = arith.addi %mul3A_56, %add3A_77 : vector<16xi32>
      %gather3A_79 = tpu.vector_load_idx %arg6[%add3A_78] : memref<28672xf32, #tpu.memory_space<vmem>>[vector<16xi32>], vector<16xf32>,
      %add3A_80 = arith.constant 6 : i32
      %add3A_81 = vector.broadcast %add3A_80 : i32 to vector<16xi32>
      %add3A_82 = arith.addi %mul3A_56, %add3A_81 : vector<16xi32>
      %gather3A_83 = tpu.vector_load_idx %arg6[%add3A_82] : memref<28672xf32, #tpu.memory_space<vmem>>[vector<16xi32>], vector<16xf32>,
      %add3A_84 = arith.constant 7 : i32
      %add3A_85 = vector.broadcast %add3A_84 : i32 to vector<16xi32>
      %add3A_86 = arith.addi %mul3A_56, %add3A_85 : vector<16xi32>
      %gather3A_87 = tpu.vector_load_idx %arg6[%add3A_86] : memref<28672xf32, #tpu.memory_space<vmem>>[vector<16xi32>], vector<16xf32>,
      %add3A_88 = arith.constant 8 : i32
      %add3A_89 = vector.broadcast %add3A_88 : i32 to vector<16xi32>
      %add3A_90 = arith.addi %mul3A_56, %add3A_89 : vector<16xi32>
      %gather3A_91 = tpu.vector_load_idx %arg6[%add3A_90] : memref<28672xf32, #tpu.memory_space<vmem>>[vector<16xi32>], vector<16xf32>,
      %add3A_92 = arith.constant 9 : i32
      %add3A_93 = vector.broadcast %add3A_92 : i32 to vector<16xi32>
      %add3A_94 = arith.addi %mul3A_56, %add3A_93 : vector<16xi32>
      %gather3A_95 = tpu.vector_load_idx %arg6[%add3A_94] : memref<28672xf32, #tpu.memory_space<vmem>>[vector<16xi32>], vector<16xf32>,
      %add3A_96 = arith.constant 10 : i32
      %add3A_97 = vector.broadcast %add3A_96 : i32 to vector<16xi32>
      %add3A_98 = arith.addi %mul3A_56, %add3A_97 : vector<16xi32>
      %gather3A_99 = tpu.vector_load_idx %arg6[%add3A_98] : memref<28672xf32, #tpu.memory_space<vmem>>[vector<16xi32>], vector<16xf32>,
      %add3A_100 = arith.constant 11 : i32
      %add3A_101 = vector.broadcast %add3A_100 : i32 to vector<16xi32>
      %add3A_102 = arith.addi %mul3A_56, %add3A_101 : vector<16xi32>
      %gather3A_103 = tpu.vector_load_idx %arg6[%add3A_102] : memref<28672xf32, #tpu.memory_space<vmem>>[vector<16xi32>], vector<16xf32>,
      %add3A_104 = arith.constant 12 : i32
      %add3A_105 = vector.broadcast %add3A_104 : i32 to vector<16xi32>
      %add3A_106 = arith.addi %mul3A_56, %add3A_105 : vector<16xi32>
      %gather3A_107 = tpu.vector_load_idx %arg6[%add3A_106] : memref<28672xf32, #tpu.memory_space<vmem>>[vector<16xi32>], vector<16xf32>,
      %add3A_108 = arith.constant 13 : i32
      %add3A_109 = vector.broadcast %add3A_108 : i32 to vector<16xi32>
      %add3A_110 = arith.addi %mul3A_56, %add3A_109 : vector<16xi32>
      %gather3A_111 = tpu.vector_load_idx %arg6[%add3A_110] : memref<28672xf32, #tpu.memory_space<vmem>>[vector<16xi32>], vector<16xf32>,
      %add3A_112 = arith.constant 14 : i32
      %add3A_113 = vector.broadcast %add3A_112 : i32 to vector<16xi32>
      %add3A_114 = arith.addi %mul3A_56, %add3A_113 : vector<16xi32>
      %gather3A_115 = tpu.vector_load_idx %arg6[%add3A_114] : memref<28672xf32, #tpu.memory_space<vmem>>[vector<16xi32>], vector<16xf32>,
      %add3A_116 = arith.constant 15 : i32
      %add3A_117 = vector.broadcast %add3A_116 : i32 to vector<16xi32>
      %add3A_118 = arith.addi %mul3A_56, %add3A_117 : vector<16xi32>
      %gather3A_119 = tpu.vector_load_idx %arg6[%add3A_118] : memref<28672xf32, #tpu.memory_space<vmem>>[vector<16xi32>], vector<16xf32>,
      %add3A_120 = arith.constant 0 : i32
      %add3A_121 = vector.broadcast %add3A_120 : i32 to vector<16xi32>
      %add3A_122 = arith.addi %mul3A_56, %add3A_121 : vector<16xi32>
      %gather3A_123 = tpu.vector_load_idx %arg7[%add3A_122] : memref<28672xf32, #tpu.memory_space<vmem>>[vector<16xi32>], vector<16xf32>,
      %add3A_124 = arith.constant 1 : i32
      %add3A_125 = vector.broadcast %add3A_124 : i32 to vector<16xi32>
      %add3A_126 = arith.addi %mul3A_56, %add3A_125 : vector<16xi32>
      %gather3A_127 = tpu.vector_load_idx %arg7[%add3A_126] : memref<28672xf32, #tpu.memory_space<vmem>>[vector<16xi32>], vector<16xf32>,
      %add3A_128 = arith.constant 2 : i32
      %add3A_129 = vector.broadcast %add3A_128 : i32 to vector<16xi32>
      %add3A_130 = arith.addi %mul3A_56, %add3A_129 : vector<16xi32>
      %gather3A_131 = tpu.vector_load_idx %arg7[%add3A_130] : memref<28672xf32, #tpu.memory_space<vmem>>[vector<16xi32>], vector<16xf32>,
      %add3A_132 = arith.constant 3 : i32
      %add3A_133 = vector.broadcast %add3A_132 : i32 to vector<16xi32>
      %add3A_134 = arith.addi %mul3A_56, %add3A_133 : vector<16xi32>
      %gather3A_135 = tpu.vector_load_idx %arg7[%add3A_134] : memref<28672xf32, #tpu.memory_space<vmem>>[vector<16xi32>], vector<16xf32>,
      %add3A_136 = arith.constant 4 : i32
      %add3A_137 = vector.broadcast %add3A_136 : i32 to vector<16xi32>
      %add3A_138 = arith.addi %mul3A_56, %add3A_137 : vector<16xi32>
      %gather3A_139 = tpu.vector_load_idx %arg7[%add3A_138] : memref<28672xf32, #tpu.memory_space<vmem>>[vector<16xi32>], vector<16xf32>,
      %add3A_140 = arith.constant 5 : i32
      %add3A_141 = vector.broadcast %add3A_140 : i32 to vector<16xi32>
      %add3A_142 = arith.addi %mul3A_56, %add3A_141 : vector<16xi32>
      %gather3A_143 = tpu.vector_load_idx %arg7[%add3A_142] : memref<28672xf32, #tpu.memory_space<vmem>>[vector<16xi32>], vector<16xf32>,
      %add3A_144 = arith.constant 6 : i32
      %add3A_145 = vector.broadcast %add3A_144 : i32 to vector<16xi32>
      %add3A_146 = arith.addi %mul3A_56, %add3A_145 : vector<16xi32>
      %gather3A_147 = tpu.vector_load_idx %arg7[%add3A_146] : memref<28672xf32, #tpu.memory_space<vmem>>[vector<16xi32>], vector<16xf32>,
      %add3A_148 = arith.constant 7 : i32
      %add3A_149 = vector.broadcast %add3A_148 : i32 to vector<16xi32>
      %add3A_150 = arith.addi %mul3A_56, %add3A_149 : vector<16xi32>
      %gather3A_151 = tpu.vector_load_idx %arg7[%add3A_150] : memref<28672xf32, #tpu.memory_space<vmem>>[vector<16xi32>], vector<16xf32>,
      %add3A_152 = arith.constant 8 : i32
      %add3A_153 = vector.broadcast %add3A_152 : i32 to vector<16xi32>
      %add3A_154 = arith.addi %mul3A_56, %add3A_153 : vector<16xi32>
      %gather3A_155 = tpu.vector_load_idx %arg7[%add3A_154] : memref<28672xf32, #tpu.memory_space<vmem>>[vector<16xi32>], vector<16xf32>,
      %add3A_156 = arith.constant 9 : i32
      %add3A_157 = vector.broadcast %add3A_156 : i32 to vector<16xi32>
      %add3A_158 = arith.addi %mul3A_56, %add3A_157 : vector<16xi32>
      %gather3A_159 = tpu.vector_load_idx %arg7[%add3A_158] : memref<28672xf32, #tpu.memory_space<vmem>>[vector<16xi32>], vector<16xf32>,
      %add3A_160 = arith.constant 10 : i32
      %add3A_161 = vector.broadcast %add3A_160 : i32 to vector<16xi32>
      %add3A_162 = arith.addi %mul3A_56, %add3A_161 : vector<16xi32>
      %gather3A_163 = tpu.vector_load_idx %arg7[%add3A_162] : memref<28672xf32, #tpu.memory_space<vmem>>[vector<16xi32>], vector<16xf32>,
      %add3A_164 = arith.constant 11 : i32
      %add3A_165 = vector.broadcast %add3A_164 : i32 to vector<16xi32>
      %add3A_166 = arith.addi %mul3A_56, %add3A_165 : vector<16xi32>
      %gather3A_167 = tpu.vector_load_idx %arg7[%add3A_166] : memref<28672xf32, #tpu.memory_space<vmem>>[vector<16xi32>], vector<16xf32>,
      %add3A_168 = arith.constant 12 : i32
      %add3A_169 = vector.broadcast %add3A_168 : i32 to vector<16xi32>
      %add3A_170 = arith.addi %mul3A_56, %add3A_169 : vector<16xi32>
      %gather3A_171 = tpu.vector_load_idx %arg7[%add3A_170] : memref<28672xf32, #tpu.memory_space<vmem>>[vector<16xi32>], vector<16xf32>,
      %add3A_172 = arith.constant 13 : i32
      %add3A_173 = vector.broadcast %add3A_172 : i32 to vector<16xi32>
      %add3A_174 = arith.addi %mul3A_56, %add3A_173 : vector<16xi32>
      %gather3A_175 = tpu.vector_load_idx %arg7[%add3A_174] : memref<28672xf32, #tpu.memory_space<vmem>>[vector<16xi32>], vector<16xf32>,
      %add3A_176 = arith.constant 14 : i32
      %add3A_177 = vector.broadcast %add3A_176 : i32 to vector<16xi32>
      %add3A_178 = arith.addi %mul3A_56, %add3A_177 : vector<16xi32>
      %gather3A_179 = tpu.vector_load_idx %arg7[%add3A_178] : memref<28672xf32, #tpu.memory_space<vmem>>[vector<16xi32>], vector<16xf32>,
      %add3A_180 = arith.constant 15 : i32
      %add3A_181 = vector.broadcast %add3A_180 : i32 to vector<16xi32>
      %add3A_182 = arith.addi %mul3A_56, %add3A_181 : vector<16xi32>
      %gather3A_183 = tpu.vector_load_idx %arg7[%add3A_182] : memref<28672xf32, #tpu.memory_space<vmem>>[vector<16xi32>], vector<16xf32>,
      %add3A_184 = arith.addf %gather3A, %gather3A_63 : vector<16xf32>
      %add3A_185 = arith.addf %gather3A_67, %gather3A_71 : vector<16xf32>
      %add3A_186 = arith.addf %gather3A_75, %gather3A_79 : vector<16xf32>
      %add3A_187 = arith.addf %gather3A_83, %gather3A_87 : vector<16xf32>
      %add3A_188 = arith.addf %gather3A_91, %gather3A_95 : vector<16xf32>
      %add3A_189 = arith.addf %gather3A_99, %gather3A_103 : vector<16xf32>
      %add3A_190 = arith.addf %gather3A_107, %gather3A_111 : vector<16xf32>
      %add3A_191 = arith.addf %gather3A_115, %gather3A_119 : vector<16xf32>
      %add3A_192 = arith.addf %add3A_184, %add3A_185 : vector<16xf32>
      %add3A_193 = arith.addf %add3A_186, %add3A_187 : vector<16xf32>
      %add3A_194 = arith.addf %add3A_188, %add3A_189 : vector<16xf32>
      %add3A_195 = arith.addf %add3A_190, %add3A_191 : vector<16xf32>
      %add3A_196 = arith.addf %add3A_192, %add3A_193 : vector<16xf32>
      %add3A_197 = arith.addf %add3A_194, %add3A_195 : vector<16xf32>
      %add3A_198 = arith.addf %add3A_196, %add3A_197 : vector<16xf32>
      %mul3A_199 = arith.constant 16 : i32
      %mul3A_200 = arith.muli %scan3A_49, %mul3A_199 : i32
      %swap3A = arith.constant 0 : i32
      %swap3A_201 = arith.index_cast %swap3A : i32 to index
      %swap3A_202 = arith.index_cast %mul3A_200 : i32 to index
      %swap3A_203 = tpu.vector_load %arg12[%swap3A_201, %swap3A_202] {strides = array<i32>} : memref<2x1792xf32, #tpu.memory_space<vmem>>, vector<16xf32>,
      tpu.vector_store %arg12[%swap3A_201, %swap3A_202], %add3A_198 {strides = array<i32>} : memref<2x1792xf32, #tpu.memory_space<vmem>>, vector<16xf32>,
      %add3A_204 = arith.addf %gather3A_123, %gather3A_127 : vector<16xf32>
      %add3A_205 = arith.addf %gather3A_131, %gather3A_135 : vector<16xf32>
      %add3A_206 = arith.addf %gather3A_139, %gather3A_143 : vector<16xf32>
      %add3A_207 = arith.addf %gather3A_147, %gather3A_151 : vector<16xf32>
      %add3A_208 = arith.addf %gather3A_155, %gather3A_159 : vector<16xf32>
      %add3A_209 = arith.addf %gather3A_163, %gather3A_167 : vector<16xf32>
      %add3A_210 = arith.addf %gather3A_171, %gather3A_175 : vector<16xf32>
      %add3A_211 = arith.addf %gather3A_179, %gather3A_183 : vector<16xf32>
      %add3A_212 = arith.addf %add3A_204, %add3A_205 : vector<16xf32>
      %add3A_213 = arith.addf %add3A_206, %add3A_207 : vector<16xf32>
      %add3A_214 = arith.addf %add3A_208, %add3A_209 : vector<16xf32>
      %add3A_215 = arith.addf %add3A_210, %add3A_211 : vector<16xf32>
      %add3A_216 = arith.addf %add3A_212, %add3A_213 : vector<16xf32>
      %add3A_217 = arith.addf %add3A_214, %add3A_215 : vector<16xf32>
      %add3A_218 = arith.addf %add3A_216, %add3A_217 : vector<16xf32>
      %mul3A_219 = arith.constant 16 : i32
      %mul3A_220 = arith.muli %scan3A_49, %mul3A_219 : i32
      %swap3A_221 = arith.constant 1 : i32
      %swap3A_222 = arith.index_cast %swap3A_221 : i32 to index
      %swap3A_223 = arith.index_cast %mul3A_220 : i32 to index
      %swap3A_224 = tpu.vector_load %arg12[%swap3A_222, %swap3A_223] {strides = array<i32>} : memref<2x1792xf32, #tpu.memory_space<vmem>>, vector<16xf32>,
      tpu.vector_store %arg12[%swap3A_222, %swap3A_223], %add3A_218 {strides = array<i32>} : memref<2x1792xf32, #tpu.memory_space<vmem>>, vector<16xf32>,
    }
    %scan3A_48 = arith.constant 112 : i32
    "tpu.region"() ({
      %run_scoped3A = tpu.sem_alloc : memref<!tpu.dma_semaphore, #tpu.memory_space<semaphore_mem>>
      %dma_start3A_49 = arith.constant 0 : i32
      %dma_start3A_50 = arith.constant 0 : i32
      %dma_start3A_51 = tpu.memref_slice %arg5[%add3A, %dma_start3A_49, %dma_start3A_50] : memref<32x2x1792xf32, #tpu.memory_space<hbm>> -> memref<1x2x1792xf32, #tpu.memory_space<hbm>>
      %dma_start3A_52 = tpu.memref_squeeze %dma_start3A_51 : memref<1x2x1792xf32, #tpu.memory_space<hbm>> -> memref<2x1792xf32, #tpu.memory_space<hbm>>
      %dma_start3A_53 = arith.constant 0 : i32
      %dma_start3A_54 = arith.constant 0 : i32
      %dma_start3A_55 = tpu.memref_slice %arg5[%add3A, %dma_start3A_53, %dma_start3A_54] : memref<32x2x1792xf32, #tpu.memory_space<hbm>> -> memref<1x2x1792xf32, #tpu.memory_space<hbm>>
      %dma_start3A_56 = tpu.memref_squeeze %dma_start3A_55 : memref<1x2x1792xf32, #tpu.memory_space<hbm>> -> memref<2x1792xf32, #tpu.memory_space<hbm>>
      tpu.enqueue_dma source(%arg12 : memref<2x1792xf32, #tpu.memory_space<vmem>>) target(%dma_start3A_56 : memref<2x1792xf32, #tpu.memory_space<hbm>>) target_semaphore(%run_scoped3A : memref<!tpu.dma_semaphore, #tpu.memory_space<semaphore_mem>>)
      %dma_wait3A = arith.constant 0 : i32
      %dma_wait3A_57 = arith.constant 0 : i32
      %dma_wait3A_58 = tpu.memref_slice %arg5[%add3A, %dma_wait3A, %dma_wait3A_57] : memref<32x2x1792xf32, #tpu.memory_space<hbm>> -> memref<1x2x1792xf32, #tpu.memory_space<hbm>>
      %dma_wait3A_59 = tpu.memref_squeeze %dma_wait3A_58 : memref<1x2x1792xf32, #tpu.memory_space<hbm>> -> memref<2x1792xf32, #tpu.memory_space<hbm>>
      %dma_wait3A_60 = arith.constant 0 : i32
      %dma_wait3A_61 = arith.constant 0 : i32
      %dma_wait3A_62 = tpu.memref_slice %arg5[%add3A, %dma_wait3A_60, %dma_wait3A_61] : memref<32x2x1792xf32, #tpu.memory_space<hbm>> -> memref<1x2x1792xf32, #tpu.memory_space<hbm>>
      %dma_wait3A_63 = tpu.memref_squeeze %dma_wait3A_62 : memref<1x2x1792xf32, #tpu.memory_space<hbm>> -> memref<2x1792xf32, #tpu.memory_space<hbm>>
      tpu.wait_dma2 semaphore(%run_scoped3A : memref<!tpu.dma_semaphore, #tpu.memory_space<semaphore_mem>>) src(%arg12 : memref<2x1792xf32, #tpu.memory_space<vmem>>) dst(%dma_wait3A_63 : memref<2x1792xf32, #tpu.memory_space<hbm>>)
      tpu.yield
    }) : () -> ()
    return
  }
}

module attributes {stable_mosaic.version = 14 : i64} {
  func.func @_stats_body(%arg0: i32, %arg1: memref<512x1024xf32, #tpu.memory_space<vmem>>, %arg2: memref<512x1024xf32, #tpu.memory_space<vmem>>, %arg3: memref<4xf32, #tpu.memory_space<smem>>, %arg4: memref<1x64xf32, #tpu.memory_space<vmem>>, %arg5: memref<1x1024xf32, #tpu.memory_space<vmem>>, %arg6: memref<1x1024xf32, #tpu.memory_space<vmem>>, %arg7: memref<1x1024xf32, #tpu.memory_space<vmem>>, %arg8: memref<1x1024xf32, #tpu.memory_space<vmem>>) attributes {dimension_semantics = [#tpu.dimension_semantics<arbitrary>], iteration_bounds = array<i64: 16>, scalar_prefetch = 0 : i64, scratch_operands = 4 : i64, tpu.core_type = #tpu.core_type<tc>, window_params = [{transform_indices = @transform_0, window_bounds = array<i64: 512, 1024>}, {transform_indices = @transform_1, window_bounds = array<i64: 512, 1024>}, {transform_indices = @transform_2, window_bounds = array<i64: 4>}, {pipeline_mode = #tpu.pipeline_mode<synchronous>, transform_indices = @transform_3, window_bounds = array<i64: 1, 64>}]} {
    %get3A = arith.constant 0 : index
    %get3A_0 = arith.constant 0 : index
    %get3A_1 = vector.load %arg1[%get3A, %get3A_0] : memref<512x1024xf32, #tpu.memory_space<vmem>>, vector<512x1024xf32>
    %get3A_2 = arith.constant 0 : index
    %get3A_3 = arith.constant 0 : index
    %get3A_4 = vector.load %arg2[%get3A_2, %get3A_3] : memref<512x1024xf32, #tpu.memory_space<vmem>>, vector<512x1024xf32>
    %sub3A = arith.subf %get3A_1, %get3A_4 : vector<512x1024xf32>
    %reduce_sum3A = arith.constant dense<0.000000e+00> : vector<1024xf32>
    %reduce_sum3A_5 = vector.multi_reduction <add>, %get3A_4, %reduce_sum3A [0] : vector<512x1024xf32> to vector<1024xf32>
    %broadcast_in_dim3A = vector.shape_cast %reduce_sum3A_5 : vector<1024xf32> to vector<1x1024xf32>
    %mul3A = arith.mulf %sub3A, %sub3A : vector<512x1024xf32>
    %reduce_sum3A_6 = arith.constant dense<0.000000e+00> : vector<1024xf32>
    %reduce_sum3A_7 = vector.multi_reduction <add>, %mul3A, %reduce_sum3A_6 [0] : vector<512x1024xf32> to vector<1024xf32>
    %broadcast_in_dim3A_8 = vector.shape_cast %reduce_sum3A_7 : vector<1024xf32> to vector<1x1024xf32>
    %max3A = arith.maximumf %get3A_1, %get3A_4 : vector<512x1024xf32>
    %reduce_max3A = arith.constant dense<0xFF800000> : vector<1024xf32>
    %reduce_max3A_9 = vector.multi_reduction <maximumf>, %max3A, %reduce_max3A [0] : vector<512x1024xf32> to vector<1024xf32>
    %broadcast_in_dim3A_10 = vector.shape_cast %reduce_max3A_9 : vector<1024xf32> to vector<1x1024xf32>
    %min3A = arith.minimumf %get3A_1, %get3A_4 : vector<512x1024xf32>
    %reduce_min3A = arith.constant dense<0x7F800000> : vector<1024xf32>
    %reduce_min3A_11 = vector.multi_reduction <minimumf>, %min3A, %reduce_min3A [0] : vector<512x1024xf32> to vector<1024xf32>
    %broadcast_in_dim3A_12 = vector.shape_cast %reduce_min3A_11 : vector<1024xf32> to vector<1x1024xf32>
    %eq3A = arith.constant 0 : i32
    %eq3A_13 = arith.cmpi eq, %arg0, %eq3A : i32
    %convert_element_type3A = arith.extui %eq3A_13 : i1 to i32
    %cond3A = arith.constant 0 : i32
    %cond3A_14 = arith.cmpi ne, %convert_element_type3A, %cond3A : i32
    scf.if %cond3A_14 {
      %swap3A = arith.constant 0 : index
      %swap3A_24 = arith.constant 0 : index
      %swap3A_25 = vector.load %arg5[%swap3A, %swap3A_24] : memref<1x1024xf32, #tpu.memory_space<vmem>>, vector<1x1024xf32>
      tpu.vector_store %arg5[%swap3A, %swap3A_24], %broadcast_in_dim3A {strides = array<i32>} : memref<1x1024xf32, #tpu.memory_space<vmem>>, vector<1x1024xf32>,
      %swap3A_26 = arith.constant 0 : index
      %swap3A_27 = arith.constant 0 : index
      %swap3A_28 = vector.load %arg6[%swap3A_26, %swap3A_27] : memref<1x1024xf32, #tpu.memory_space<vmem>>, vector<1x1024xf32>
      tpu.vector_store %arg6[%swap3A_26, %swap3A_27], %broadcast_in_dim3A_8 {strides = array<i32>} : memref<1x1024xf32, #tpu.memory_space<vmem>>, vector<1x1024xf32>,
      %swap3A_29 = arith.constant 0 : index
      %swap3A_30 = arith.constant 0 : index
      %swap3A_31 = vector.load %arg7[%swap3A_29, %swap3A_30] : memref<1x1024xf32, #tpu.memory_space<vmem>>, vector<1x1024xf32>
      tpu.vector_store %arg7[%swap3A_29, %swap3A_30], %broadcast_in_dim3A_10 {strides = array<i32>} : memref<1x1024xf32, #tpu.memory_space<vmem>>, vector<1x1024xf32>,
      %swap3A_32 = arith.constant 0 : index
      %swap3A_33 = arith.constant 0 : index
      %swap3A_34 = vector.load %arg8[%swap3A_32, %swap3A_33] : memref<1x1024xf32, #tpu.memory_space<vmem>>, vector<1x1024xf32>
      tpu.vector_store %arg8[%swap3A_32, %swap3A_33], %broadcast_in_dim3A_12 {strides = array<i32>} : memref<1x1024xf32, #tpu.memory_space<vmem>>, vector<1x1024xf32>,
    } else {
    }
    %gt3A = arith.constant 0 : i32
    %gt3A_15 = arith.cmpi sgt, %arg0, %gt3A : i32
    %convert_element_type3A_16 = arith.extui %gt3A_15 : i1 to i32
    %cond3A_17 = arith.constant 0 : i32
    %cond3A_18 = arith.cmpi ne, %convert_element_type3A_16, %cond3A_17 : i32
    scf.if %cond3A_18 {
      %get3A_24 = arith.constant 0 : index
      %get3A_25 = arith.constant 0 : index
      %get3A_26 = vector.load %arg5[%get3A_24, %get3A_25] : memref<1x1024xf32, #tpu.memory_space<vmem>>, vector<1x1024xf32>
      %add3A = arith.addf %get3A_26, %broadcast_in_dim3A : vector<1x1024xf32>
      %swap3A = arith.constant 0 : index
      %swap3A_27 = arith.constant 0 : index
      %swap3A_28 = vector.load %arg5[%swap3A, %swap3A_27] : memref<1x1024xf32, #tpu.memory_space<vmem>>, vector<1x1024xf32>
      tpu.vector_store %arg5[%swap3A, %swap3A_27], %add3A {strides = array<i32>} : memref<1x1024xf32, #tpu.memory_space<vmem>>, vector<1x1024xf32>,
      %get3A_29 = arith.constant 0 : index
      %get3A_30 = arith.constant 0 : index
      %get3A_31 = vector.load %arg6[%get3A_29, %get3A_30] : memref<1x1024xf32, #tpu.memory_space<vmem>>, vector<1x1024xf32>
      %add3A_32 = arith.addf %get3A_31, %broadcast_in_dim3A_8 : vector<1x1024xf32>
      %swap3A_33 = arith.constant 0 : index
      %swap3A_34 = arith.constant 0 : index
      %swap3A_35 = vector.load %arg6[%swap3A_33, %swap3A_34] : memref<1x1024xf32, #tpu.memory_space<vmem>>, vector<1x1024xf32>
      tpu.vector_store %arg6[%swap3A_33, %swap3A_34], %add3A_32 {strides = array<i32>} : memref<1x1024xf32, #tpu.memory_space<vmem>>, vector<1x1024xf32>,
      %get3A_36 = arith.constant 0 : index
      %get3A_37 = arith.constant 0 : index
      %get3A_38 = vector.load %arg7[%get3A_36, %get3A_37] : memref<1x1024xf32, #tpu.memory_space<vmem>>, vector<1x1024xf32>
      %max3A_39 = arith.maximumf %get3A_38, %broadcast_in_dim3A_10 : vector<1x1024xf32>
      %swap3A_40 = arith.constant 0 : index
      %swap3A_41 = arith.constant 0 : index
      %swap3A_42 = vector.load %arg7[%swap3A_40, %swap3A_41] : memref<1x1024xf32, #tpu.memory_space<vmem>>, vector<1x1024xf32>
      tpu.vector_store %arg7[%swap3A_40, %swap3A_41], %max3A_39 {strides = array<i32>} : memref<1x1024xf32, #tpu.memory_space<vmem>>, vector<1x1024xf32>,
      %get3A_43 = arith.constant 0 : index
      %get3A_44 = arith.constant 0 : index
      %get3A_45 = vector.load %arg8[%get3A_43, %get3A_44] : memref<1x1024xf32, #tpu.memory_space<vmem>>, vector<1x1024xf32>
      %min3A_46 = arith.minimumf %get3A_45, %broadcast_in_dim3A_12 : vector<1x1024xf32>
      %swap3A_47 = arith.constant 0 : index
      %swap3A_48 = arith.constant 0 : index
      %swap3A_49 = vector.load %arg8[%swap3A_47, %swap3A_48] : memref<1x1024xf32, #tpu.memory_space<vmem>>, vector<1x1024xf32>
      tpu.vector_store %arg8[%swap3A_47, %swap3A_48], %min3A_46 {strides = array<i32>} : memref<1x1024xf32, #tpu.memory_space<vmem>>, vector<1x1024xf32>,
    } else {
    }
    %eq3A_19 = arith.constant 15 : i32
    %eq3A_20 = arith.cmpi eq, %arg0, %eq3A_19 : i32
    %convert_element_type3A_21 = arith.extui %eq3A_20 : i1 to i32
    %cond3A_22 = arith.constant 0 : i32
    %cond3A_23 = arith.cmpi ne, %convert_element_type3A_21, %cond3A_22 : i32
    scf.if %cond3A_23 {
      %get3A_24 = arith.constant 0 : index
      %get3A_25 = arith.constant 0 : index
      %get3A_26 = vector.load %arg5[%get3A_24, %get3A_25] : memref<1x1024xf32, #tpu.memory_space<vmem>>, vector<1x1024xf32>
      %reduce_sum3A_27 = vector.shape_cast %get3A_26 : vector<1x1024xf32> to vector<1x1x1024xf32>
      %reduce_sum3A_28 = arith.constant dense<0.000000e+00> : vector<1xf32>
      %reduce_sum3A_29 = vector.multi_reduction <add>, %reduce_sum3A_27, %reduce_sum3A_28 [1, 2] : vector<1x1x1024xf32> to vector<1xf32>
      %reduce_sum3A_30 = vector.shape_cast %reduce_sum3A_29 : vector<1xf32> to vector<1x1x1xf32>
      %reduce_sum3A_31 = vector.extract %reduce_sum3A_30[0, 0, 0] : f32 from vector<1x1x1xf32>
      %get3A_32 = arith.constant 0 : index
      %get3A_33 = arith.constant 0 : index
      %get3A_34 = vector.load %arg6[%get3A_32, %get3A_33] : memref<1x1024xf32, #tpu.memory_space<vmem>>, vector<1x1024xf32>
      %reduce_sum3A_35 = vector.shape_cast %get3A_34 : vector<1x1024xf32> to vector<1x1x1024xf32>
      %reduce_sum3A_36 = arith.constant dense<0.000000e+00> : vector<1xf32>
      %reduce_sum3A_37 = vector.multi_reduction <add>, %reduce_sum3A_35, %reduce_sum3A_36 [1, 2] : vector<1x1x1024xf32> to vector<1xf32>
      %reduce_sum3A_38 = vector.shape_cast %reduce_sum3A_37 : vector<1xf32> to vector<1x1x1xf32>
      %reduce_sum3A_39 = vector.extract %reduce_sum3A_38[0, 0, 0] : f32 from vector<1x1x1xf32>
      %div3A = arith.constant 0x4B000000 : f32
      %div3A_40 = arith.divf %reduce_sum3A_39, %div3A : f32
      %get3A_41 = arith.constant 0 : index
      %get3A_42 = arith.constant 0 : index
      %get3A_43 = vector.load %arg7[%get3A_41, %get3A_42] : memref<1x1024xf32, #tpu.memory_space<vmem>>, vector<1x1024xf32>
      %reduce_max3A_44 = vector.shape_cast %get3A_43 : vector<1x1024xf32> to vector<1x1x1024xf32>
      %reduce_max3A_45 = arith.constant dense<0xFF800000> : vector<1xf32>
      %reduce_max3A_46 = vector.multi_reduction <maximumf>, %reduce_max3A_44, %reduce_max3A_45 [1, 2] : vector<1x1x1024xf32> to vector<1xf32>
      %reduce_max3A_47 = vector.shape_cast %reduce_max3A_46 : vector<1xf32> to vector<1x1x1xf32>
      %reduce_max3A_48 = vector.extract %reduce_max3A_47[0, 0, 0] : f32 from vector<1x1x1xf32>
      %get3A_49 = arith.constant 0 : index
      %get3A_50 = arith.constant 0 : index
      %get3A_51 = vector.load %arg8[%get3A_49, %get3A_50] : memref<1x1024xf32, #tpu.memory_space<vmem>>, vector<1x1024xf32>
      %reduce_min3A_52 = vector.shape_cast %get3A_51 : vector<1x1024xf32> to vector<1x1x1024xf32>
      %reduce_min3A_53 = arith.constant dense<0x7F800000> : vector<1xf32>
      %reduce_min3A_54 = vector.multi_reduction <minimumf>, %reduce_min3A_52, %reduce_min3A_53 [1, 2] : vector<1x1x1024xf32> to vector<1xf32>
      %reduce_min3A_55 = vector.shape_cast %reduce_min3A_54 : vector<1xf32> to vector<1x1x1xf32>
      %reduce_min3A_56 = vector.extract %reduce_min3A_55[0, 0, 0] : f32 from vector<1x1x1xf32>
      %sqrt3A = math.sqrt %div3A_40 : f32
      %div3A_57 = arith.constant 0x4B000000 : f32
      %div3A_58 = arith.divf %reduce_sum3A_31, %div3A_57 : f32
      %add3A = arith.constant 9.99999997E-7 : f32
      %add3A_59 = arith.addf %div3A_58, %add3A : f32
      %div3A_60 = arith.divf %sqrt3A, %add3A_59 : f32
      %sub3A_61 = arith.subf %reduce_max3A_48, %reduce_min3A_56 : f32
      %add3A_62 = arith.constant 9.99999997E-7 : f32
      %add3A_63 = arith.addf %sub3A_61, %add3A_62 : f32
      %mul3A_64 = arith.constant 4720.98438 : f32
      %mul3A_65 = arith.mulf %mul3A_64, %add3A_63 : f32
      %div3A_66 = arith.constant 0x4B000000 : f32
      %div3A_67 = arith.divf %mul3A_65, %div3A_66 : f32
      %swap3A = arith.constant 0 : index
      %swap3A_68 = memref.load %arg3[%swap3A] : memref<4xf32, #tpu.memory_space<smem>>
      memref.store %div3A_60, %arg3[%swap3A] : memref<4xf32, #tpu.memory_space<smem>>
      %mul3A_69 = arith.constant 4720.98438 : f32
      %mul3A_70 = arith.mulf %mul3A_69, %add3A_63 : f32
      %div3A_71 = arith.constant 1.000000e+02 : f32
      %div3A_72 = arith.divf %div3A_71, %mul3A_70 : f32
      %swap3A_73 = arith.constant 1 : index
      %swap3A_74 = memref.load %arg3[%swap3A_73] : memref<4xf32, #tpu.memory_space<smem>>
      memref.store %div3A_72, %arg3[%swap3A_73] : memref<4xf32, #tpu.memory_space<smem>>
      %swap3A_75 = arith.constant 2 : index
      %swap3A_76 = memref.load %arg3[%swap3A_75] : memref<4xf32, #tpu.memory_space<smem>>
      memref.store %div3A_67, %arg3[%swap3A_75] : memref<4xf32, #tpu.memory_space<smem>>
      %swap3A_77 = arith.constant 3 : index
      %swap3A_78 = memref.load %arg3[%swap3A_77] : memref<4xf32, #tpu.memory_space<smem>>
      memref.store %reduce_min3A_56, %arg3[%swap3A_77] : memref<4xf32, #tpu.memory_space<smem>>
      %iota3A = tpu.iota {dimensions = array<i32: 1>} : vector<1x64xi32>
      %lt3A = arith.constant 16 : i32
      %lt3A_79 = vector.broadcast %lt3A : i32 to vector<1x64xi32>
      %lt3A_80 = arith.cmpi slt, %iota3A, %lt3A_79 : vector<1x64xi32>
      %lt3A_81 = arith.constant 32 : i32
      %lt3A_82 = vector.broadcast %lt3A_81 : i32 to vector<1x64xi32>
      %lt3A_83 = arith.cmpi slt, %iota3A, %lt3A_82 : vector<1x64xi32>
      %div3A_84 = arith.constant 1.000000e+00 : f32
      %div3A_85 = arith.divf %div3A_84, %div3A_67 : f32
      %jit3A = arith.constant 0.000000e+00 : f32
      %broadcast_in_dim3A_86 = vector.broadcast %div3A_85 : f32 to vector<1x64xf32>
      %broadcast_in_dim3A_87 = vector.broadcast %jit3A : f32 to vector<1x64xf32>
      %select_n3A = arith.select %lt3A_83, %broadcast_in_dim3A_86, %broadcast_in_dim3A_87 : vector<1x64xi1>, vector<1x64xf32>
      %broadcast_in_dim3A_88 = vector.broadcast %reduce_min3A_56 : f32 to vector<1x64xf32>
      %select_n3A_89 = arith.select %lt3A_80, %broadcast_in_dim3A_88, %select_n3A : vector<1x64xi1>, vector<1x64xf32>
      %swap3A_90 = arith.constant 0 : index
      %swap3A_91 = arith.constant 0 : index
      %swap3A_92 = vector.load %arg4[%swap3A_90, %swap3A_91] : memref<1x64xf32, #tpu.memory_space<vmem>>, vector<1x64xf32>
      tpu.vector_store %arg4[%swap3A_90, %swap3A_91], %select_n3A_89 {strides = array<i32>} : memref<1x64xf32, #tpu.memory_space<vmem>>, vector<1x64xf32>,
    } else {
    }
    return
  }
  func.func @transform_0(%arg0: i32) -> (i32, i32) {
    %c0_i32 = arith.constant 0 : i32
    %c0_i32_0 = arith.constant 0 : i32
    return %arg0, %c0_i32 : i32, i32
  }
  func.func @transform_1(%arg0: i32) -> (i32, i32) {
    %c0_i32 = arith.constant 0 : i32
    %c0_i32_0 = arith.constant 0 : i32
    return %arg0, %c0_i32 : i32, i32
  }
  func.func @transform_2(%arg0: i32) -> i32 {
    %c0_i32 = arith.constant 0 : i32
    %c0_i32_0 = arith.constant 0 : i32
    return %c0_i32 : i32
  }
  func.func @transform_3(%arg0: i32) -> (i32, i32) {
    %c0_i32 = arith.constant 0 : i32
    %c0_i32_0 = arith.constant 0 : i32
    %c0_i32_1 = arith.constant 0 : i32
    return %c0_i32, %c0_i32_0 : i32, i32
  }
}

module attributes {stable_mosaic.version = 14 : i64} {
  func.func @_fin_body(%arg0: memref<32x2x14x128xf32, #tpu.memory_space<vmem>>, %arg1: memref<1xf32, #tpu.memory_space<smem>>, %arg2: memref<1x1xf32, #tpu.memory_space<vmem>>, %arg3: memref<1x1xf32, #tpu.memory_space<vmem>>) attributes {dimension_semantics = [], scalar_prefetch = 0 : i64, scratch_operands = 0 : i64, tpu.core_type = #tpu.core_type<tc>} {
    %get3A = arith.constant 0 : index
    %get3A_0 = memref.load %arg1[%get3A] : memref<1xf32, #tpu.memory_space<smem>>
    %get3A_1 = arith.constant 0 : index
    %get3A_2 = arith.constant 0 : index
    %get3A_3 = arith.constant 0 : index
    %get3A_4 = arith.constant 0 : index
    %get3A_5 = vector.load %arg0[%get3A_1, %get3A_2, %get3A_3, %get3A_4] : memref<32x2x14x128xf32, #tpu.memory_space<vmem>>, vector<32x2x14x128xf32>
    %reduce_sum3A = arith.constant dense<0.000000e+00> : vector<2x14x128xf32>
    %reduce_sum3A_6 = vector.multi_reduction <add>, %get3A_5, %reduce_sum3A [0] : vector<32x2x14x128xf32> to vector<2x14x128xf32>
    %iota3A = tpu.iota {dimensions = array<i32: 0>} : vector<128x128xi32>
    %iota3A_7 = tpu.iota {dimensions = array<i32: 1>} : vector<128x128xi32>
    %le3A = arith.cmpi sle, %iota3A, %iota3A_7 : vector<128x128xi32>
    %convert_element_type3A = arith.extui %le3A : vector<128x128xi1> to vector<128x128xi32>
    %convert_element_type3A_8 = arith.sitofp %convert_element_type3A : vector<128x128xi32> to vector<128x128xf32>
    %iota3A_9 = tpu.iota {dimensions = array<i32: 0>} : vector<14x14xi32>
    %iota3A_10 = tpu.iota {dimensions = array<i32: 1>} : vector<14x14xi32>
    %lt3A = arith.cmpi slt, %iota3A_10, %iota3A_9 : vector<14x14xi32>
    %convert_element_type3A_11 = arith.extui %lt3A : vector<14x14xi1> to vector<14x14xi32>
    %convert_element_type3A_12 = arith.sitofp %convert_element_type3A_11 : vector<14x14xi32> to vector<14x14xf32>
    %iota3A_13 = tpu.iota {dimensions = array<i32: 0>} : vector<128x128xi32>
    %iota3A_14 = tpu.iota {dimensions = array<i32: 1>} : vector<128x128xi32>
    %add3A = arith.constant 1 : i32
    %add3A_15 = vector.broadcast %add3A : i32 to vector<128x128xi32>
    %add3A_16 = arith.addi %iota3A_13, %add3A_15 : vector<128x128xi32>
    %eq3A = arith.cmpi eq, %iota3A_14, %add3A_16 : vector<128x128xi32>
    %convert_element_type3A_17 = arith.extui %eq3A : vector<128x128xi1> to vector<128x128xi32>
    %convert_element_type3A_18 = arith.sitofp %convert_element_type3A_17 : vector<128x128xi32> to vector<128x128xf32>
    %iota3A_19 = tpu.iota {dimensions = array<i32: 0>} : vector<14x14xi32>
    %iota3A_20 = tpu.iota {dimensions = array<i32: 1>} : vector<14x14xi32>
    %sub3A = arith.constant 1 : i32
    %sub3A_21 = vector.broadcast %sub3A : i32 to vector<14x14xi32>
    %sub3A_22 = arith.subi %iota3A_19, %sub3A_21 : vector<14x14xi32>
    %eq3A_23 = arith.cmpi eq, %iota3A_20, %sub3A_22 : vector<14x14xi32>
    %convert_element_type3A_24 = arith.extui %eq3A_23 : vector<14x14xi1> to vector<14x14xi32>
    %convert_element_type3A_25 = arith.sitofp %convert_element_type3A_24 : vector<14x14xi32> to vector<14x14xf32>
    %iota3A_26 = tpu.iota {dimensions = array<i32: 1>} : vector<1x128xi32>
    %eq3A_27 = arith.constant 0 : i32
    %eq3A_28 = vector.broadcast %eq3A_27 : i32 to vector<1x128xi32>
    %eq3A_29 = arith.cmpi eq, %iota3A_26, %eq3A_28 : vector<1x128xi32>
    %convert_element_type3A_30 = arith.extui %eq3A_29 : vector<1x128xi1> to vector<1x128xi32>
    %convert_element_type3A_31 = arith.sitofp %convert_element_type3A_30 : vector<1x128xi32> to vector<1x128xf32>
    %slice3A = vector.extract_strided_slice %reduce_sum3A_6 {offsets = [0, 0, 0], sizes = [1, 14, 128], strides = [1, 1, 1]} : vector<2x14x128xf32> to vector<1x14x128xf32>
    %squeeze3A = vector.shape_cast %slice3A : vector<1x14x128xf32> to vector<14x128xf32>
    %dot_general3A = arith.constant dense<0.000000e+00> : vector<14x128xf32>
    %dot_general3A_32 = tpu.matmul %squeeze3A, %convert_element_type3A_8, %dot_general3A {dimension_numbers = #tpu.dot_dimension_numbers<[1], [0], [0], [1], [0, 0, 1, 1], [], []>, precision = #tpu.contract_precision<fp32>, transpose_lhs_hint = false} : vector<14x128xf32>, vector<128x128xf32>, vector<14x128xf32> -> vector<14x128xf32>
    %slice3A_33 = vector.extract_strided_slice %dot_general3A_32 {offsets = [0, 127], sizes = [14, 1], strides = [1, 1]} : vector<14x128xf32> to vector<14x1xf32>
    %dot_general3A_34 = arith.constant dense<0.000000e+00> : vector<14x1xf32>
    %dot_general3A_35 = tpu.matmul %convert_element_type3A_12, %slice3A_33, %dot_general3A_34 {dimension_numbers = #tpu.dot_dimension_numbers<[1], [0], [0], [1], [0, 0, 1, 1], [], []>, precision = #tpu.contract_precision<fp32>, transpose_lhs_hint = false} : vector<14x14xf32>, vector<14x1xf32>, vector<14x1xf32> -> vector<14x1xf32>
    %mul3A = arith.constant 5.000000e-01 : f32
    %mul3A_36 = vector.broadcast %mul3A : f32 to vector<14x128xf32>
    %mul3A_37 = arith.mulf %mul3A_36, %squeeze3A : vector<14x128xf32>
    %sub3A_38 = arith.subf %dot_general3A_32, %mul3A_37 : vector<14x128xf32>
    %add3A_39 = vector.broadcast %dot_general3A_35 : vector<14x1xf32> to vector<14x128xf32>
    %add3A_40 = arith.addf %sub3A_38, %add3A_39 : vector<14x128xf32>
    %mul3A_41 = vector.broadcast %get3A_0 : f32 to vector<14x128xf32>
    %mul3A_42 = arith.mulf %mul3A_41, %add3A_40 : vector<14x128xf32>
    %slice3A_43 = vector.extract_strided_slice %reduce_sum3A_6 {offsets = [1, 0, 0], sizes = [1, 14, 128], strides = [1, 1, 1]} : vector<2x14x128xf32> to vector<1x14x128xf32>
    %squeeze3A_44 = vector.shape_cast %slice3A_43 : vector<1x14x128xf32> to vector<14x128xf32>
    %dot_general3A_45 = arith.constant dense<0.000000e+00> : vector<14x128xf32>
    %dot_general3A_46 = tpu.matmul %squeeze3A_44, %convert_element_type3A_8, %dot_general3A_45 {dimension_numbers = #tpu.dot_dimension_numbers<[1], [0], [0], [1], [0, 0, 1, 1], [], []>, precision = #tpu.contract_precision<fp32>, transpose_lhs_hint = false} : vector<14x128xf32>, vector<128x128xf32>, vector<14x128xf32> -> vector<14x128xf32>
    %slice3A_47 = vector.extract_strided_slice %dot_general3A_46 {offsets = [0, 127], sizes = [14, 1], strides = [1, 1]} : vector<14x128xf32> to vector<14x1xf32>
    %dot_general3A_48 = arith.constant dense<0.000000e+00> : vector<14x1xf32>
    %dot_general3A_49 = tpu.matmul %convert_element_type3A_12, %slice3A_47, %dot_general3A_48 {dimension_numbers = #tpu.dot_dimension_numbers<[1], [0], [0], [1], [0, 0, 1, 1], [], []>, precision = #tpu.contract_precision<fp32>, transpose_lhs_hint = false} : vector<14x14xf32>, vector<14x1xf32>, vector<14x1xf32> -> vector<14x1xf32>
    %mul3A_50 = arith.constant 5.000000e-01 : f32
    %mul3A_51 = vector.broadcast %mul3A_50 : f32 to vector<14x128xf32>
    %mul3A_52 = arith.mulf %mul3A_51, %squeeze3A_44 : vector<14x128xf32>
    %sub3A_53 = arith.subf %dot_general3A_46, %mul3A_52 : vector<14x128xf32>
    %add3A_54 = vector.broadcast %dot_general3A_49 : vector<14x1xf32> to vector<14x128xf32>
    %add3A_55 = arith.addf %sub3A_53, %add3A_54 : vector<14x128xf32>
    %mul3A_56 = vector.broadcast %get3A_0 : f32 to vector<14x128xf32>
    %mul3A_57 = arith.mulf %mul3A_56, %add3A_55 : vector<14x128xf32>
    %sub3A_58 = arith.subf %mul3A_42, %mul3A_57 : vector<14x128xf32>
    %abs3A = math.absf %sub3A_58 : vector<14x128xf32>
    %reduce_sum3A_59 = vector.shape_cast %abs3A : vector<14x128xf32> to vector<1x14x128xf32>
    %reduce_sum3A_60 = arith.constant dense<0.000000e+00> : vector<1xf32>
    %reduce_sum3A_61 = vector.multi_reduction <add>, %reduce_sum3A_59, %reduce_sum3A_60 [1, 2] : vector<1x14x128xf32> to vector<1xf32>
    %reduce_sum3A_62 = vector.shape_cast %reduce_sum3A_61 : vector<1xf32> to vector<1x1x1xf32>
    %reduce_sum3A_63 = vector.extract %reduce_sum3A_62[0, 0, 0] : f32 from vector<1x1x1xf32>
    %broadcast_in_dim3A = vector.broadcast %reduce_sum3A_63 : f32 to vector<1x1xf32>
    %swap3A = arith.constant 0 : index
    %swap3A_64 = arith.constant 0 : index
    %swap3A_65 = vector.load %arg2[%swap3A, %swap3A_64] : memref<1x1xf32, #tpu.memory_space<vmem>>, vector<1x1xf32>
    tpu.vector_store %arg2[%swap3A, %swap3A_64], %broadcast_in_dim3A {strides = array<i32>} : memref<1x1xf32, #tpu.memory_space<vmem>>, vector<1x1xf32>,
    %slice3A_66 = vector.extract_strided_slice %mul3A_57 {offsets = [0, 127], sizes = [14, 1], strides = [1, 1]} : vector<14x128xf32> to vector<14x1xf32>
    %dot_general3A_67 = arith.constant dense<0.000000e+00> : vector<14x1xf32>
    %dot_general3A_68 = tpu.matmul %convert_element_type3A_25, %slice3A_66, %dot_general3A_67 {dimension_numbers = #tpu.dot_dimension_numbers<[1], [0], [0], [1], [0, 0, 1, 1], [], []>, precision = #tpu.contract_precision<fp32>, transpose_lhs_hint = false} : vector<14x14xf32>, vector<14x1xf32>, vector<14x1xf32> -> vector<14x1xf32>
    %dot_general3A_69 = arith.constant dense<0.000000e+00> : vector<14x128xf32>
    %dot_general3A_70 = tpu.matmul %mul3A_57, %convert_element_type3A_18, %dot_general3A_69 {dimension_numbers = #tpu.dot_dimension_numbers<[1], [0], [0], [1], [0, 0, 1, 1], [], []>, precision = #tpu.contract_precision<fp32>, transpose_lhs_hint = false} : vector<14x128xf32>, vector<128x128xf32>, vector<14x128xf32> -> vector<14x128xf32>
    %mul3A_71 = vector.broadcast %dot_general3A_68 : vector<14x1xf32> to vector<14x128xf32>
    %mul3A_72 = vector.broadcast %convert_element_type3A_31 : vector<1x128xf32> to vector<14x128xf32>
    %mul3A_73 = arith.mulf %mul3A_71, %mul3A_72 : vector<14x128xf32>
    %add3A_74 = arith.addf %dot_general3A_70, %mul3A_73 : vector<14x128xf32>
    %sub3A_75 = arith.subf %add3A_74, %mul3A_42 : vector<14x128xf32>
    %max3A = arith.constant 0.000000e+00 : f32
    %max3A_76 = vector.broadcast %max3A : f32 to vector<14x128xf32>
    %max3A_77 = arith.maximumf %sub3A_75, %max3A_76 : vector<14x128xf32>
    %reduce_sum3A_78 = vector.shape_cast %max3A_77 : vector<14x128xf32> to vector<1x14x128xf32>
    %reduce_sum3A_79 = arith.constant dense<0.000000e+00> : vector<1xf32>
    %reduce_sum3A_80 = vector.multi_reduction <add>, %reduce_sum3A_78, %reduce_sum3A_79 [1, 2] : vector<1x14x128xf32> to vector<1xf32>
    %reduce_sum3A_81 = vector.shape_cast %reduce_sum3A_80 : vector<1xf32> to vector<1x1x1xf32>
    %reduce_sum3A_82 = vector.extract %reduce_sum3A_81[0, 0, 0] : f32 from vector<1x1x1xf32>
    %broadcast_in_dim3A_83 = vector.broadcast %reduce_sum3A_82 : f32 to vector<1x1xf32>
    %slice3A_84 = vector.extract_strided_slice %mul3A_42 {offsets = [0, 127], sizes = [14, 1], strides = [1, 1]} : vector<14x128xf32> to vector<14x1xf32>
    %dot_general3A_85 = arith.constant dense<0.000000e+00> : vector<14x1xf32>
    %dot_general3A_86 = tpu.matmul %convert_element_type3A_25, %slice3A_84, %dot_general3A_85 {dimension_numbers = #tpu.dot_dimension_numbers<[1], [0], [0], [1], [0, 0, 1, 1], [], []>, precision = #tpu.contract_precision<fp32>, transpose_lhs_hint = false} : vector<14x14xf32>, vector<14x1xf32>, vector<14x1xf32> -> vector<14x1xf32>
    %dot_general3A_87 = arith.constant dense<0.000000e+00> : vector<14x128xf32>
    %dot_general3A_88 = tpu.matmul %mul3A_42, %convert_element_type3A_18, %dot_general3A_87 {dimension_numbers = #tpu.dot_dimension_numbers<[1], [0], [0], [1], [0, 0, 1, 1], [], []>, precision = #tpu.contract_precision<fp32>, transpose_lhs_hint = false} : vector<14x128xf32>, vector<128x128xf32>, vector<14x128xf32> -> vector<14x128xf32>
    %mul3A_89 = vector.broadcast %dot_general3A_86 : vector<14x1xf32> to vector<14x128xf32>
    %mul3A_90 = vector.broadcast %convert_element_type3A_31 : vector<1x128xf32> to vector<14x128xf32>
    %mul3A_91 = arith.mulf %mul3A_89, %mul3A_90 : vector<14x128xf32>
    %add3A_92 = arith.addf %dot_general3A_88, %mul3A_91 : vector<14x128xf32>
    %sub3A_93 = arith.subf %add3A_92, %mul3A_57 : vector<14x128xf32>
    %max3A_94 = arith.constant 0.000000e+00 : f32
    %max3A_95 = vector.broadcast %max3A_94 : f32 to vector<14x128xf32>
    %max3A_96 = arith.maximumf %sub3A_93, %max3A_95 : vector<14x128xf32>
    %reduce_sum3A_97 = vector.shape_cast %max3A_96 : vector<14x128xf32> to vector<1x14x128xf32>
    %reduce_sum3A_98 = arith.constant dense<0.000000e+00> : vector<1xf32>
    %reduce_sum3A_99 = vector.multi_reduction <add>, %reduce_sum3A_97, %reduce_sum3A_98 [1, 2] : vector<1x14x128xf32> to vector<1xf32>
    %reduce_sum3A_100 = vector.shape_cast %reduce_sum3A_99 : vector<1xf32> to vector<1x1x1xf32>
    %reduce_sum3A_101 = vector.extract %reduce_sum3A_100[0, 0, 0] : f32 from vector<1x1x1xf32>
    %broadcast_in_dim3A_102 = vector.broadcast %reduce_sum3A_101 : f32 to vector<1x1xf32>
    %add3A_103 = arith.addf %broadcast_in_dim3A_83, %broadcast_in_dim3A_102 : vector<1x1xf32>
    %swap3A_104 = arith.constant 0 : index
    %swap3A_105 = arith.constant 0 : index
    %swap3A_106 = vector.load %arg3[%swap3A_104, %swap3A_105] : memref<1x1xf32, #tpu.memory_space<vmem>>, vector<1x1xf32>
    tpu.vector_store %arg3[%swap3A_104, %swap3A_105], %add3A_103 {strides = array<i32>} : memref<1x1xf32, #tpu.memory_space<vmem>>, vector<1x1xf32>,
    return
  }
}

</mosaic_0001>

<sc_bundles>
// kernel: kernel.5.cloned.1.call-start
scs
__scs_entry_jumppad:
0x0: {  	(pc) =	sbr.rel $0x88, $3  }
0x1: {  	(tag) =	ssettag $0x0;
	lr =	simm.s32 $0x1  }
0x2: {  	[smem:$0x3F9F] =	sst lr;
	_ =	strace $0xD0000000  }
0x3: {  	_ = 	snop  }
0x4: {  	_ = 	snop  }
0x5: {  	_ = 	snop  }
0x6: {  	_ = 	snop  }
0x7: {  	_ = 	snop  }
__scs_overlays_trampoline_lowered:
0x8: {  	[smem:$0x3FAE] =	sst s0  }
0x9: {  	[smem:$0x3FAF] =	sst s1  }
0xa: {  	[smem:$0x3FB0] =	sst s2  }
0xb: {  	[smem:$0x3FB1] =	sst s3  }
0xc: {  	[smem:$0x3FB2] =	sst s4  }
0xd: {  	[smem:$0x3FB3] =	sst s5  }
0xe: {  	[smem:$0x3FB4] =	sst s6  }
0xf: {  	[smem:$0x3FB5] =	sst s7  }
0x10: {  	[smem:$0x3FB6] =	sst s8  }
0x11: {  	[smem:$0x3FB7] =	sst s9;
	s0 =	simm.s32 @!p0 $0x0  }
0x12: {  	s1 =	sld [smem:$0x3F9D];
	s0 =	simm.s32 @p0 $0x1  }
0x13: {  	[smem:$0x3FB8] =	sst s0;
	s0 =	simm.s32 @!p1 $0x0  }
0x14: {  	s2 =	sld [smem:$0x3F9C];
	s0 =	simm.s32 @p1 $0x1  }
0x15: {  	[smem:$0x3FB9] =	sst s0;
	s0 =	simm.s32 @!p2 $0x0  }
0x16: {  	s3 =	sld [smem:$0x3FDB];
	s0 =	simm.s32 @p2 $0x1  }
0x17: {  	s4 =	simm.s32 $0x1BF5;
	[smem:$0x3FBB] =	sst s0  }
0x18: {  	s0 =	sld [smem:$0x3F9E];
	_ =	swait.ge [sflag:s4], $0x0  }
0x19: {  	s7 =	sld [smem:$0x3F9F]  }
0x1a: {  	s8 =	sadd.s32 $0xFFFFE003, lr  }
0x1b: {  	s9 =	sadd.s32 $0xFFFFFEF7, lr;
	s5 =	simm.s32 $0xFFFFFFFF;
	p2 =	slt.u32 s8, $0xFFFFF086  }
0x1c: {  	p1 =	slt.u32 s9, $0xF7A;
	s5 =	simm.s32 @!p2 $0x0  }
0x1d: {  	s5 =	simm.s32 @p1 $0x1;
	p0 =	seq.s32 s7, s2  }
0x1e: {  	s7 =	smul.u32 @!p0 $0xF7A, s2;
	p2 =	seq.s32 @!p0 s5, $0x0  }
0x1f: {  	s9 =	smul.u32 $0xF7A, s1;
	s8 =	simm.s32 @!p0 $0x1BF5;
	p2 =	por !p2, p0  }
0x20: {  	[sflag:s8] =	ssyncset.s32 @!p0 $0xFFFFF086;
	s6 =	sadd.s32 @!p0 s3, s7;
	s7 =	simm.s32 @!p0 $0x108  }
0x21: {  	s3 =	sadd.s32 s3, s9;
	s6 =	sadd.s32 @!p0 $0x88, s6;
	s7 =	simm.s32 @p2 $0x1082  }
0x22: {  	[simem:s7], [sflag:s8] =	dma.local @!p0 [hbm:s6], $0xF7A  }
0x23: {  	s9 =	sor.u32 $0xD0000000, s2;
	s6 =	simm.s32 $0x108;
	_ =	swait.ge @!p0 [sflag:s8], $0x0  }
0x24: {  	s3 =	sadd.s32 $0x88, s3;
	s6 =	simm.s32 @!p1 $0x1082;
	[sflag:s4] =	ssyncset.s32 $0xFFFFF086  }
0x25: {  	[simem:s6], [sflag:s4] =	dma.local [hbm:s3], $0xF7A  }
0x26: {  	[smem:$0x3F9F] =	sst s1;
	(tag) =	ssettag s2;
	_ =	strace s9  }
0x27: {  	s1 =	sld [smem:$0x3FAF]  }
0x28: {  	s2 =	sld [smem:$0x3FB0]  }
0x29: {  	s4 =	sld [smem:$0x3FB2]  }
0x2a: {  	p0 =	seq.s32 s5, $0x0;
	s5 =	sld [smem:$0x3FB3]  }
0x2b: {  	s6 =	sld [smem:$0x3FB4]  }
0x2c: {  	s7 =	sld [smem:$0x3FB5]  }
0x2d: {  	s3 =	simm.s32 $0x108;
	s8 =	sld [smem:$0x3FB6]  }
0x2e: {  	s3 =	simm.s32 @!p0 $0x1082;
	s9 =	sld [smem:$0x3FB7]  }
0x2f: {  	lr =	sadd.s32 s0, s3;
	s0 =	sld [smem:$0x3FAE]  }
0x30: {  	s3 =	sld [smem:$0x3FB1]  }
0x31: {  	[smem:$0x3FBA] =	sst s10  }
0x32: {  	s10 =	sld [smem:$0x3FB8];
	_ =	sdelay $0x3  }
0x33: {  	p0 =	seq.s32 s10, $0x1;
	s10 =	sld [smem:$0x3FBA];
	_ =	sdelay $0x3  }
0x34: {  	[smem:$0x3FBA] =	sst s10  }
0x35: {  	s10 =	sld [smem:$0x3FB9];
	_ =	sdelay $0x3  }
0x36: {  	p1 =	seq.s32 s10, $0x1;
	s10 =	sld [smem:$0x3FBA];
	_ =	sdelay $0x3  }
0x37: {  	[smem:$0x3FBA] =	sst s10  }
0x38: {  	s10 =	sld [smem:$0x3FBB]  }
0x39: {  	_ = 	snop;
	(pc) =	sbr.ind lr, $3  }
0x3a: {  	_ = 	snop  }
0x3b: {  	_ = 	snop  }
0x3c: {  	p2 =	seq.s32 s10, $0x1;
	s10 =	sld [smem:$0x3FBA]  }
0x3d: {  	_ =	shalt  }
0x3e: {  	_ =	shalt  }
0x3f: {  	_ =	shalt  }
0x40: {  	_ =	shalt  }
0x41: {  	_ =	shalt  }
0x42: {  	_ =	shalt  }
0x43: {  	_ =	shalt  }
0x44: {  	_ =	shalt  }
0x45: {  	_ =	shalt  }
0x46: {  	_ =	shalt  }
0x47: {  	_ =	shalt  }
0x48: {  	_ =	shalt  }
0x49: {  	_ =	shalt  }
0x4a: {  	_ =	shalt  }
0x4b: {  	_ =	shalt  }
0x4c: {  	_ =	shalt  }
0x4d: {  	_ =	shalt  }
0x4e: {  	_ =	shalt  }
0x4f: {  	_ =	shalt  }
0x50: {  	_ =	shalt  }
0x51: {  	_ =	shalt  }
0x52: {  	_ =	shalt  }
0x53: {  	_ =	shalt  }
0x54: {  	_ =	shalt  }
0x55: {  	_ =	shalt  }
0x56: {  	_ =	shalt  }
0x57: {  	_ =	shalt  }
0x58: {  	_ =	shalt  }
0x59: {  	_ =	shalt  }
0x5a: {  	_ =	shalt  }
0x5b: {  	_ =	shalt  }
0x5c: {  	_ =	shalt  }
0x5d: {  	_ =	shalt  }
0x5e: {  	_ =	shalt  }
0x5f: {  	_ =	shalt  }
0x60: {  	_ =	shalt  }
0x61: {  	_ =	shalt  }
0x62: {  	_ =	shalt  }
0x63: {  	_ =	shalt  }
0x64: {  	_ =	shalt  }
0x65: {  	_ =	shalt  }
0x66: {  	_ =	shalt  }
0x67: {  	_ =	shalt  }
0x68: {  	_ =	shalt  }
0x69: {  	_ =	shalt  }
0x6a: {  	_ =	shalt  }
0x6b: {  	_ =	shalt  }
0x6c: {  	_ =	shalt  }
0x6d: {  	_ =	shalt  }
0x6e: {  	_ =	shalt  }
0x6f: {  	_ =	shalt  }
0x70: {  	_ =	shalt  }
0x71: {  	_ =	shalt  }
0x72: {  	_ =	shalt  }
0x73: {  	_ =	shalt  }
0x74: {  	_ =	shalt  }
0x75: {  	_ =	shalt  }
0x76: {  	_ =	shalt  }
0x77: {  	_ =	shalt  }
0x78: {  	_ =	shalt  }
0x79: {  	_ =	shalt  }
0x7a: {  	_ =	shalt  }
0x7b: {  	_ =	shalt  }
0x7c: {  	_ =	shalt  }
0x7d: {  	_ =	shalt  }
0x7e: {  	_ =	shalt  }
0x7f: {  	_ =	shalt  }
0x80: {  	_ =	shalt  }
0x81: {  	_ =	shalt  }
0x82: {  	_ =	shalt  }
0x83: {  	_ =	shalt  }
0x84: {  	_ =	shalt  }
0x85: {  	_ =	shalt  }
0x86: {  	_ =	shalt  }
0x87: {  	_ =	shalt  }
.Lfunc_end0:
.L_simem_size_0:
called_computation_lowered:
.L_overlay_start_0:
0x88: {  	s2 =	sld [smem:$0x3FD9]  }
0x89: {  	s3 =	sld [smem:$0x3FFE];
	_ =	sdelay $0x1  }
0x8a: {  	s1 =	srdreg.scid  }
0x8b: {  	s0 =	sand.u32 $0x1, s1  }
0x8c: {  	s17 =	sshll.u32 s0, $0xA;
	s2 =	sadd.s32 s3, s2  }
0x8d: {  	s2 =	sadd.s32 s2, s17  }
0x8e: {  	[smem:$0x3FC6] =	sst s2  }
0x8f: {  	_ = 	snop  }
0x90: {  	s2 =	sld [smem:$0x3FC9]  }
0x91: {  	s18 =	sld [smem:$0x3FC8];
	(tm) =	ssettm $0x1  }
0x92: {  	s4 =	sld [smem:$0x3FFB];
	_ =	sdelay $0x3  }
0x93: {  	_ =	strace s4  }
0x94: {  	s4 =	sld [smem:$0x3FFC];
	_ =	sdelay $0x3  }
0x95: {  	_ =	strace s4  }
0x96: {  	s4 =	sld [smem:$0x3FFD];
	_ =	sdelay $0x3  }
0x97: {  	_ =	strace s4  }
0x98: {  	_ =	strace $0x8FFFFFFF  }
0x99: {  	s19 =	sld [smem:$0x3FDB];
	_ =	sdelay $0x1  }
0x9a: {  	s5 =	simm.s32 $_scs_section_size  }
0x9b: {  	s6 =	simm.s32 $_size__tile_overlayer_lowered;
	s7 =	simm.s32 $_tile_overlayer_lowered  }
0x9c: {  	s22 =	simm.s32 $0x1BFF;
	s21 =	sshll.u32 s7, $0x1;
	s4 =	sadd.s32 s5, s19  }
0x9d: {  	s8 =	simm.s32 $0x0;
	s20 =	sshll.u32 s6, $0x1;
	s6 =	sadd.s32 s21, s4  }
0x9e: {  	[timem:s8], [sflag:s22] =	dma.local [hbm:s6], s20  }
0x9f: {  	_ =	swait.ge [sflag:s22], s20  }
0xa0: {  	s5 =	ssub.s32 $0x0, s20;
	[sflag:s22] =	ssyncset.done $0x0  }
0xa1: {  	[sflag:s22] =	ssyncadd.s32 s5;
	_ =	sdelay $0x1  }
0xa2: {  	s23 =	simm.s32 $0x1B8B  }
0xa3: {  	_ =	swait.ge [sflag:s23], $0x1  }
0xa4: {  	[sflag:s23] =	ssyncset.done $0x0  }
0xa5: {  	s25 =	simm.s32 $0x1B8E;
	s24 =	sld [smem:$0x3FFE];
	[sflag:s23] =	ssyncadd.s32 $0xFFFFFFFF  }
0xa6: {  	s26 =	simm.s32 $execute0_lowered;
	[smem:$0x3FD2] =	sst s25  }
0xa7: {  	s6 =	sshll.u32 s26, $0x1;
	_ =	strace $0x80000046;
	[dreg:$0x1] =	wrdreg $0xFFFFFFFF  }
0xa8: {  	s28 =	simm.s32 $_size_execute0_lowered;
	s4 =	sadd.s32 s4, s6;
	[dreg:$0x0] =	wrdreg $0x0  }
0xa9: {  	s6 =	sshll.u32 s28, $0x1;
	[dreg:$0x2] =	wrdreg s4  }
0xaa: {  	[dreg:$0x3] =	wrdreg s6  }
0xab: {  	[dreg:$0x4] =	wrdreg $0xC0  }
0xac: {  	_ =	task [dreg:s8], $0x5FFFF  }
0xad: {  	[dreg:$0x1] =	wrdreg $0xFFFFFFFF  }
0xae: {  	[dreg:$0x0] =	wrdreg $0x60  }
0xaf: {  	[dreg:$0x2] =	wrdreg s2  }
0xb0: {  	[dreg:$0x3] =	wrdreg s18  }
0xb1: {  	[dreg:$0x4] =	wrdreg s24  }
0xb2: {  	[dreg:$0x5] =	wrdreg $0x9  }
0xb3: {  	_ =	task.clear_ibuf [dreg:s8], $0x6FFFF;
	_ =	strace $0x90000046  }
0xb4: {  	s29 =	simm.s32 $0x9;
	_ =	strace $0x80000048  }
0xb5: {  	_ =	swait.ge [sflag:s29], $0x1  }
0xb6: {  	[sflag:s29] =	ssyncadd.s32 $0xFFFFFFFF  }
0xb7: {  	_ =	strace $0x90000048  }
0xb8: {  	_ =	sfence  }
0xb9: {  	s30 =	sld [smem:$0x0];
	_ =	sdelay $0x2  }
0xba: {  	s31 =	sshll.u32 s1, $0xD;
	s1 =	sshrl.u32 s1, $0x2  }
0xbb: {  	s3 =	sand.u32 $0x4000, s31;
	s1 =	sadd.s32 s1, s30  }
0xbc: {  	s0 =	sor.u32 s3, s0;
	s1 =	sshll.u32 s1, $0x11  }
0xbd: {  	s0 =	sor.u32 s1, s0  }
0xbe: {  	s0 =	sadd.s32 $0x8F2B, s0  }
0xbf: {  	[sflag:s0] =	ssyncadd.remote.s32 $0x1  }
0xc0: {  	_ =	sfence.sel $0xFFFF  }
0xc1: {  	[dreg:$0x0] =	wrdreg $0xFFFFFFFF;
	(pc) =	sbr.abs _section_cstart, $3  }
0xc2: {  	[dreg:$0x1] =	wrdreg $0xFFFFFFFF  }
0xc3: {  	_ =	task.clear_ibuf [dreg:s8], $0x2FFFF;
	_ =	strace $0x9FFFFFFF  }
0xc4: {  	(tm) =	ssettm $0x7FFFFFFF  }
0xc5: {  	_ =	shalt  }
tec
execute0_lowered:
.L_overlay_start_1:
0x0: {  	(tag) =	ssettag $0x1  }
0x1: {  	s1 =	rddreg [dreg:$0x0]  }
0x2: {  	s3 =	rddreg [dreg:$0x1]  }
0x3: {  	s0 =	rddreg [dreg:$0x2]  }
0x4: {  	s2 =	srdreg.scid;
	s5 =	stileid.u32  }
0x5: {  	s4 =	simm.s32 $0x0;
	s15 =	simm.s32 $0x5;
	s18 =	simm.s32 $0x10000  }
0x6: {  	s19 =	simm.s32 $0x14000;
	s20 =	simm.s32 $0x1;
	s21 =	simm.s32 $0x3  }
0x7: {  	s22 =	simm.s32 $0x7000;
	s23 =	simm.s32 $0x2;
	s24 =	simm.s32 $0x4  }
0x8: {  	s26 =	simm.s32 $0x0;
	s2 =	sand.u32 $0x1, s2;
	s5 =	sshll.u32 s5, $0x1  }
0x9: {  	[smem:$0x7FF] =	sst s4;
	s30 =	sadd.s32 $0xC00, s0;
	s6 =	sor.u32 s2, s5  }
0xa: {  	_ =	strace $0x80000047;
	s2 =	ssub.s32 $0x2, s2;
	[dreg:$0x4] =	wrdreg s30  }
0xb: {  	s7 =	smul.u32 $0x1C0, s6;
	s8 =	sshrl.u32 s2, $0x1;
	s11 =	sshll.u32 s6, $0xF  }
0xc: {  	s2 =	ssub.s32 s2, s8;
	s9 =	sor.u32 $0x400, s11;
	s31 =	sadd.s32 s1, s11  }
0xd: {  	s10 =	sor.u32 $0x800, s11;
	s0 =	sadd.s32 s7, s0;
	[dreg:$0x5] =	wrdreg s31  }
0xe: {  	v0 =	vlaneseq.u32;
	s7 =	sadd.s32 s3, s11;
	s8 =	sadd.s32 s1, s9;
	s9 =	sadd.s32 s3, s9  }
0xf: {  	v1 =	vimm.f32 $0.0e+00;
	v2 =	vimm.f32 $1.000000000e+00;
	v3 =	vmul.u32 $0x10, v0;
	s11 =	sor.u32 $0xC00, s11;
	s13 =	smax.u32 s2, $0x1;
	s12 =	sadd.s32 $0xE00, s0  }
.LBB2_1:
0x10: {  	s0 =	rddreg [dreg:$0x4];
	s2 =	simm.s32 $0x16E00  }
0x11: {  	[tilespmem:s2], [sflag:$0x5] =	stream.linear.gather [hbm4b:s0+s4], $0x80, $0x38;
	[tilespmem:$0x16E80] =	vst v63  }
0x12: {  	_ =	swait.ge [sflag:s15], $0x80  }
0x13: {  	[sflag:s15] =	ssyncset.done $0x0  }
0x14: {  	[sflag:s15] =	ssyncadd.s32 $0xFFFFFF80  }
0x15: {  	v4 =	vld [tilespmem:$0x16E00]  }
0x16: {  	v5 =	vld [tilespmem:$0x16E10];
	_ =	sdelay $0x2  }
0x17: {  	s0 =	simm.s32 $0x0;
	s2 =	simm.s32 $0x100  }
.LBB2_2:
0x18: {  	p0 =	sne.s32 s2, $0x1BF00;
	[tilespmem:s0+$0x7030] =	vst v1  }
0x19: {  	[tilespmem:s0+$0x0] =	vst v1  }
0x1a: {  	[tilespmem:s0+$0x7000] =	vst v1  }
.Ltmp0:
0x1b: {  	[tilespmem:s0+$0x10] =	vst v1;
	(pc) =	sbr.rel @p0 .LBB2_2-.Ltmp0, $4  }
0x1c: {  	[tilespmem:s0+$0x7010] =	vst v1  }
0x1d: {  	[tilespmem:s0+$0x20] =	vst v1  }
0x1e: {  	[tilespmem:s0+$0x7020] =	vst v1  }
0x1f: {  	[tilespmem:s0+$0x30] =	vst v1;
	s0 =	sshra.s32 s2, $0x2;
	s2 =	sadd.s32 $0x100, s2  }
0x20: {  	[tilespmem:s0+$0x7030] =	vst v1  }
0x21: {  	[tilespmem:s0+$0x0] =	vst v1  }
0x22: {  	[tilespmem:s0+$0x7000] =	vst v1  }
0x23: {  	[tilespmem:s0+$0x10] =	vst v1  }
0x24: {  	[tilespmem:s0+$0x7010] =	vst v1  }
0x25: {  	[tilespmem:s0+$0x20] =	vst v1  }
0x26: {  	[tilespmem:s0+$0x7020] =	vst v1  }
0x27: {  	[tilespmem:s0+$0x30] =	vst v1;
	s28 =	simm.s32 $0x0;
	s30 =	rddreg [dreg:$0x5];
	s2 =	simm.s32 $0xE000  }
0x28: {  	[tilespmem:s2], [sflag:$0x1] =	stream.linear.gather [hbm4b:s30+s28], $0x2000, $0x38;
	[tilespmem:$0x16E80] =	vst v63  }
0x29: {  	s31 =	simm.s32 $0x12000  }
0x2a: {  	[tilespmem:s31], [sflag:$0x3] =	stream.linear.gather [hbm4b:s7+s28], $0x2000, $0x38;
	[tilespmem:$0x16E80] =	vst v63  }
0x2b: {  	_ = 	snop  }
0x2c: {  	[tilespmem:s18], [sflag:$0x2] =	stream.linear.gather [hbm4b:s8+s28], $0x2000, $0x38;
	[tilespmem:$0x16E80] =	vst v63  }
0x2d: {  	s29 =	simm.s32 $0x0  }
0x2e: {  	[tilespmem:s19], [sflag:$0x4] =	stream.linear.gather [hbm4b:s9+s28], $0x2000, $0x38;
	[tilespmem:$0x16E80] =	vst v63  }
.LBB2_4:
0x2f: {  	_ =	swait.ge [sflag:s20], $0x2000  }
0x30: {  	[sflag:s20] =	ssyncset.done $0x0  }
0x31: {  	[sflag:s20] =	ssyncadd.s32 $0xFFFFE000  }
0x32: {  	_ =	swait.ge [sflag:s21], $0x2000  }
0x33: {  	s0 =	sand.u32 $0x70, s28;
	s2 =	sand.u32 $0x1C00, s28;
	[sflag:s21] =	ssyncset.done $0x0  }
0x34: {  	s0 =	sor.u32 s0, s2;
	[sflag:s21] =	ssyncadd.s32 $0xFFFFE000  }
0x35: {  	v12 =	vld [tilespmem:s0+$0x12180]  }
0x36: {  	v8 =	vld [tilespmem:s0+$0x12080]  }
0x37: {  	v11 =	vld [tilespmem:s0+$0x12000]  }
0x38: {  	v10 =	vld [tilespmem:s0+$0x12100]  }
0x39: {  	v6 =	vld [tilespmem:s0+$0xE180]  }
0x3a: {  	s17 =	simm.s32 $0x10;
	s14 =	simm.s32 $0x80;
	v9 =	vld [tilespmem:s0+$0xE100]  }
0x3b: {  	s16 =	simm.s32 $0x20;
	s25 =	sand.u32 $0x70, s17;
	s31 =	sand.u32 $0x1C00, s14;
	v7 =	vld [tilespmem:s0+$0xE080];
	v13 =	vsub.f32 v8, v4  }
0x3c: {  	s2 =	sor.u32 s28, s28;
	s30 =	sor.u32 s14, s17;
	s31 =	sor.u32 s25, s31;
	v8 =	vld [tilespmem:s0+$0xE000];
	v11 =	vsub.f32 v11, v4;
	v12 =	vsub.f32 v12, v4  }
.LBB2_5:
0x3d: {  	p0 =	sne.s32 s16, $0x3F0  }
0x3e: {  	s14 =	sadd.s32 $0x80, s14;
	v13 =	vmul.f32 v13, v5;
	v10 =	vsub.f32 v10, v4;
	s25 =	smov.u32 s16;
	s16 =	sadd.s32 $0x10, s16  }
0x3f: {  	s17 =	sor.u32 s14, s25;
	v14 =	vld [tilespmem:s0+$0xE200];
	v6 =	vsub.f32 v6, v4;
	v11 =	vmul.f32 v11, v5;
	v12 =	vmul.f32 v12, v5  }
0x40: {  	v9 =	vsub.f32 v9, v4;
	v13 =	vtrunc.f32 v13;
	v10 =	vmul.f32 v10, v5  }
0x41: {  	v15 =	vld [tilespmem:s0+$0x12200];
	v7 =	vsub.f32 v7, v4;
	v13 =	vcvt.f32.s32 v13;
	v12 =	vtrunc.f32 v12  }
0x42: {  	v8 =	vsub.f32 v8, v4;
	v9 =	vmul.f32 v9, v5;
	v12 =	vcvt.f32.s32 v12  }
0x43: {  	v10 =	vtrunc.f32 v10;
	v7 =	vmul.f32 v7, v5;
	v13 =	vshll.u32 v13, $0x4  }
0x44: {  	v16 =	vld [tilespmem:s0+$0xE280];
	v8 =	vmul.f32 v8, v5;
	v9 =	vtrunc.f32 v9;
	v13 =	vor.u32 v0, v13  }
0x45: {  	v6 =	vmul.f32 v6, v5;
	v11 =	vtrunc.f32 v11;
	v14 =	vsub.f32 v14, v4  }
0x46: {  	v10 =	vcvt.f32.s32 v10;
	v17 =	vld [tilespmem:s0+$0xE300];
	v8 =	vtrunc.f32 v8;
	v15 =	vsub.f32 v15, v4  }
0x47: {  	v6 =	vtrunc.f32 v6;
	v12 =	vshll.u32 v12, $0x4;
	v8 =	vcvt.f32.s32 v8  }
0x48: {  	v11 =	vcvt.f32.s32 v11;
	v6 =	vcvt.f32.s32 v6;
	v12 =	vor.u32 v0, v12  }
0x49: {  	v9 =	vcvt.f32.s32 v9;
	v10 =	vshll.u32 v10, $0x4;
	v16 =	vsub.f32 v16, v4  }
0x4a: {  	s25 =	sand.u32 $0x70, s25;
	s5 =	sand.u32 $0x1C00, s14;
	v6 =	vshll.u32 v6, $0x4;
	v14 =	vmul.f32 v14, v5;
	v15 =	vmul.f32 v15, v5;
	v18 =	vld [tilespmem:s0+$0x12280]  }
0x4b: {  	s5 =	sor.u32 s25, s5;
	v11 =	vshll.u32 v11, $0x4;
	v7 =	vtrunc.f32 v7;
	v9 =	vshll.u32 v9, $0x4  }
0x4c: {  	v8 =	vshll.u32 v8, $0x4;
	v15 =	vtrunc.f32 v15;
	v17 =	vsub.f32 v17, v4  }
0x4d: {  	s25 =	sor.u32 $0x380, s2;
	s2 =	smov.u32 s30;
	s30 =	smov.u32 s17;
	v7 =	vcvt.f32.s32 v7;
	v8 =	vor.u32 v0, v8;
	v15 =	vcvt.f32.s32 v15;
	v19 =	vld [tilespmem:s0+$0x12300]  }
0x4e: {  	v11 =	vor.u32 v0, v11;
	v14 =	vtrunc.f32 v14;
	v17 =	vmul.f32 v17, v5;
	s0 =	smov.u32 s31;
	s31 =	smov.u32 s5;
	v20 =	vld [tilespmem:s25+$0xE000]  }
0x4f: {  	v10 =	vor.u32 v0, v10;
	v7 =	vshll.u32 v7, $0x4;
	v15 =	vshll.u32 v15, $0x4  }
0x50: {  	v14 =	vcvt.f32.s32 v14;
	v17 =	vtrunc.f32 v17;
	v18 =	vsub.f32 v18, v4  }
0x51: {  	v7 =	vor.u32 v0, v7;
	v16 =	vmul.f32 v16, v5;
	v17 =	vcvt.f32.s32 v17;
	v21 =	vld [tilespmem:s25+$0x12000]  }
0x52: {  	v18 =	vmul.f32 v18, v5;
	v19 =	vsub.f32 v19, v4;
	[tilespmem:v8+s4+$0x0] =	vst.idx.add.f32.msk $0xffff, v2  }
0x53: {  	v9 =	vor.u32 v0, v9;
	v8 =	vtrunc.f32 v16;
	v16 =	vshll.u32 v17, $0x4;
	[tilespmem:v11+s22+$0x0] =	vst.idx.add.f32.msk $0xffff, v2  }
0x54: {  	v11 =	vshll.u32 v14, $0x4;
	v14 =	vsub.f32 v20, v4;
	v17 =	vtrunc.f32 v18  }
0x55: {  	v6 =	vor.u32 v0, v6;
	v17 =	vcvt.f32.s32 v17;
	v18 =	vmul.f32 v19, v5  }
0x56: {  	v8 =	vcvt.f32.s32 v8;
	v14 =	vmul.f32 v14, v5;
	v19 =	vsub.f32 v21, v4;
	[tilespmem:v7+s4+$0x0] =	vst.idx.add.f32.msk $0xffff, v2  }
0x57: {  	v11 =	vor.u32 v0, v11;
	v7 =	vshll.u32 v17, $0x4;
	v17 =	vtrunc.f32 v18;
	[tilespmem:v13+s22+$0x0] =	vst.idx.add.f32.msk $0xffff, v2  }
0x58: {  	v13 =	vtrunc.f32 v14;
	v14 =	vcvt.f32.s32 v17;
	[tilespmem:v9+s4+$0x0] =	vst.idx.add.f32.msk $0xffff, v2;
	v9 =	vor.u32 v0, v15  }
0x59: {  	v8 =	vshll.u32 v8, $0x4;
	v13 =	vcvt.f32.s32 v13;
	v15 =	vmul.f32 v19, v5;
	[tilespmem:v10+s22+$0x0] =	vst.idx.add.f32.msk $0xffff, v2  }
0x5a: {  	v10 =	vshll.u32 v14, $0x4;
	[tilespmem:v6+s4+$0x0] =	vst.idx.add.f32.msk $0xffff, v2;
	v6 =	vor.u32 v0, v8  }
0x5b: {  	v7 =	vor.u32 v0, v7;
	v8 =	vshll.u32 v13, $0x4;
	v13 =	vtrunc.f32 v15;
	[tilespmem:v12+s22+$0x0] =	vst.idx.add.f32.msk $0xffff, v2  }
0x5c: {  	v12 =	vcvt.f32.s32 v13;
	[tilespmem:v11+s4+$0x0] =	vst.idx.add.f32.msk $0xffff, v2;
	v11 =	vor.u32 v0, v16  }
0x5d: {  	[tilespmem:v9+s22+$0x0] =	vst.idx.add.f32.msk $0xffff, v2;
	v9 =	vor.u32 v0, v10  }
0x5e: {  	v8 =	vor.u32 v0, v8;
	v10 =	vshll.u32 v12, $0x4  }
0x5f: {  	[tilespmem:v6+s4+$0x0] =	vst.idx.add.f32.msk $0xffff, v2;
	v6 =	vor.u32 v0, v10  }
0x60: {  	[tilespmem:v7+s22+$0x0] =	vst.idx.add.f32.msk $0xffff, v2  }
0x61: {  	[tilespmem:v11+s4+$0x0] =	vst.idx.add.f32.msk $0xffff, v2  }
0x62: {  	[tilespmem:v9+s22+$0x0] =	vst.idx.add.f32.msk $0xffff, v2  }
0x63: {  	[tilespmem:v8+s4+$0x0] =	vst.idx.add.f32.msk $0xffff, v2  }
0x64: {  	[tilespmem:v6+s22+$0x0] =	vst.idx.add.f32.msk $0xffff, v2  }
0x65: {  	v12 =	vld [tilespmem:s0+$0x12180]  }
0x66: {  	v8 =	vld [tilespmem:s0+$0x12080]  }
0x67: {  	v11 =	vld [tilespmem:s0+$0x12000]  }
.Ltmp1:
0x68: {  	v10 =	vld [tilespmem:s0+$0x12100];
	(pc) =	sbr.rel @p0 .LBB2_5-.Ltmp1, $4  }
0x69: {  	v6 =	vld [tilespmem:s0+$0xE180]  }
0x6a: {  	v9 =	vld [tilespmem:s0+$0xE100]  }
0x6b: {  	v7 =	vld [tilespmem:s0+$0xE080];
	v13 =	vsub.f32 v8, v4  }
0x6c: {  	v12 =	vsub.f32 v12, v4;
	v8 =	vld [tilespmem:s0+$0xE000];
	v11 =	vsub.f32 v11, v4  }
0x6d: {  	v13 =	vmul.f32 v13, v5;
	v14 =	vld [tilespmem:s0+$0xE200]  }
0x6e: {  	v10 =	vsub.f32 v10, v4;
	v15 =	vld [tilespmem:s0+$0x12200];
	v11 =	vmul.f32 v11, v5  }
0x6f: {  	v16 =	vld [tilespmem:s0+$0xE280];
	v12 =	vmul.f32 v12, v5;
	v6 =	vsub.f32 v6, v4;
	v13 =	vtrunc.f32 v13  }
0x70: {  	v17 =	vld [tilespmem:s0+$0xE300];
	v9 =	vsub.f32 v9, v4;
	v10 =	vmul.f32 v10, v5;
	v13 =	vcvt.f32.s32 v13  }
0x71: {  	v18 =	vld [tilespmem:s0+$0x12280];
	v12 =	vtrunc.f32 v12;
	v6 =	vmul.f32 v6, v5  }
0x72: {  	v19 =	vld [tilespmem:s0+$0x12300];
	v7 =	vsub.f32 v7, v4;
	v11 =	vtrunc.f32 v11;
	v9 =	vmul.f32 v9, v5  }
0x73: {  	v12 =	vcvt.f32.s32 v12;
	v10 =	vtrunc.f32 v10  }
0x74: {  	s5 =	sor.u32 $0x380, s2;
	v8 =	vsub.f32 v8, v4;
	v11 =	vcvt.f32.s32 v11;
	v7 =	vmul.f32 v7, v5  }
0x75: {  	v21 =	vld [tilespmem:s5+$0x12000];
	v13 =	vshll.u32 v13, $0x4;
	v14 =	vsub.f32 v14, v4;
	v15 =	vsub.f32 v15, v4  }
0x76: {  	v10 =	vcvt.f32.s32 v10;
	v16 =	vsub.f32 v16, v4;
	v17 =	vsub.f32 v17, v4  }
0x77: {  	v6 =	vtrunc.f32 v6;
	v18 =	vsub.f32 v18, v4;
	v19 =	vsub.f32 v19, v4  }
0x78: {  	v8 =	vmul.f32 v8, v5;
	v9 =	vtrunc.f32 v9;
	v13 =	vor.u32 v0, v13  }
0x79: {  	v12 =	vshll.u32 v12, $0x4;
	v6 =	vcvt.f32.s32 v6;
	v11 =	vshll.u32 v11, $0x4  }
0x7a: {  	v55 =	vsub.f32 v21, v4;
	v9 =	vcvt.f32.s32 v9;
	v15 =	vmul.f32 v15, v5  }
0x7b: {  	v12 =	vor.u32 v0, v12;
	v14 =	vmul.f32 v14, v5;
	v8 =	vtrunc.f32 v8  }
0x7c: {  	v10 =	vshll.u32 v10, $0x4;
	v7 =	vtrunc.f32 v7;
	v8 =	vcvt.f32.s32 v8  }
0x7d: {  	v17 =	vmul.f32 v17, v5;
	v11 =	vor.u32 v0, v11;
	v16 =	vmul.f32 v16, v5  }
0x7e: {  	v18 =	vmul.f32 v18, v5;
	v7 =	vcvt.f32.s32 v7;
	v8 =	vshll.u32 v8, $0x4  }
0x7f: {  	v54 =	vmul.f32 v19, v5;
	v6 =	vshll.u32 v6, $0x4;
	v8 =	vor.u32 v0, v8  }
0x80: {  	v20 =	vld [tilespmem:s5+$0xE000];
	v10 =	vor.u32 v0, v10;
	v15 =	vtrunc.f32 v15;
	v7 =	vshll.u32 v7, $0x4  }
0x81: {  	v14 =	vtrunc.f32 v14;
	v17 =	vtrunc.f32 v17;
	v7 =	vor.u32 v0, v7  }
0x82: {  	v9 =	vshll.u32 v9, $0x4;
	v16 =	vtrunc.f32 v16;
	v18 =	vtrunc.f32 v18  }
0x83: {  	v15 =	vcvt.f32.s32 v15;
	v14 =	vcvt.f32.s32 v14;
	v9 =	vor.u32 v0, v9  }
0x84: {  	v6 =	vor.u32 v0, v6;
	v17 =	vcvt.f32.s32 v17;
	v16 =	vcvt.f32.s32 v16;
	[tilespmem:v8+s4+$0x0] =	vst.idx.add.f32.msk $0xffff, v2  }
0x85: {  	v8 =	vshll.u32 v14, $0x4;
	v14 =	vsub.f32 v20, v4;
	[tilespmem:v11+s22+$0x0] =	vst.idx.add.f32.msk $0xffff, v2;
	v11 =	vcvt.f32.s32 v18  }
0x86: {  	v15 =	vshll.u32 v15, $0x4;
	v17 =	vshll.u32 v17, $0x4;
	v8 =	vor.u32 v0, v8;
	[tilespmem:v7+s4+$0x0] =	vst.idx.add.f32.msk $0xffff, v2  }
0x87: {  	v14 =	vmul.f32 v14, v5;
	v7 =	vshll.u32 v11, $0x4;
	v11 =	vtrunc.f32 v54;
	[tilespmem:v13+s22+$0x0] =	vst.idx.add.f32.msk $0xffff, v2  }
0x88: {  	v13 =	vshll.u32 v16, $0x4;
	[tilespmem:v9+s4+$0x0] =	vst.idx.add.f32.msk $0xffff, v2;
	v9 =	vor.u32 v0, v15;
	v15 =	vmul.f32 v55, v5  }
0x89: {  	v14 =	vtrunc.f32 v14;
	v11 =	vcvt.f32.s32 v11;
	[tilespmem:v10+s22+$0x0] =	vst.idx.add.f32.msk $0xffff, v2;
	v10 =	vor.u32 v0, v13  }
0x8a: {  	v7 =	vor.u32 v0, v7;
	v13 =	vcvt.f32.s32 v14;
	[tilespmem:v6+s4+$0x0] =	vst.idx.add.f32.msk $0xffff, v2;
	v6 =	vtrunc.f32 v15  }
0x8b: {  	v11 =	vshll.u32 v11, $0x4;
	[tilespmem:v12+s22+$0x0] =	vst.idx.add.f32.msk $0xffff, v2;
	v6 =	vcvt.f32.s32 v6;
	v12 =	vor.u32 v0, v17  }
0x8c: {  	v13 =	vshll.u32 v13, $0x4;
	[tilespmem:v8+s4+$0x0] =	vst.idx.add.f32.msk $0xffff, v2;
	v8 =	vor.u32 v0, v11  }
0x8d: {  	[tilespmem:v9+s22+$0x0] =	vst.idx.add.f32.msk $0xffff, v2;
	v6 =	vshll.u32 v6, $0x4;
	v9 =	vor.u32 v0, v13  }
0x8e: {  	[tilespmem:v10+s4+$0x0] =	vst.idx.add.f32.msk $0xffff, v2;
	v6 =	vor.u32 v0, v6  }
0x8f: {  	[tilespmem:v7+s22+$0x0] =	vst.idx.add.f32.msk $0xffff, v2  }
0x90: {  	[tilespmem:v12+s4+$0x0] =	vst.idx.add.f32.msk $0xffff, v2  }
0x91: {  	[tilespmem:v8+s22+$0x0] =	vst.idx.add.f32.msk $0xffff, v2  }
0x92: {  	[tilespmem:v9+s4+$0x0] =	vst.idx.add.f32.msk $0xffff, v2  }
0x93: {  	[tilespmem:v6+s22+$0x0] =	vst.idx.add.f32.msk $0xffff, v2  }
0x94: {  	v6 =	vld [tilespmem:s31+$0x12180]  }
0x95: {  	v7 =	vld [tilespmem:s31+$0x12080]  }
0x96: {  	v8 =	vld [tilespmem:s31+$0x12000]  }
0x97: {  	v9 =	vld [tilespmem:s31+$0x12100]  }
0x98: {  	v10 =	vld [tilespmem:s31+$0xE100]  }
0x99: {  	v11 =	vld [tilespmem:s31+$0xE080]  }
0x9a: {  	v12 =	vld [tilespmem:s31+$0xE000]  }
0x9b: {  	v13 =	vld [tilespmem:s31+$0xE180]  }
0x9c: {  	v14 =	vld [tilespmem:s31+$0xE200]  }
0x9d: {  	v15 =	vld [tilespmem:s31+$0x12200];
	v7 =	vsub.f32 v7, v4  }
0x9e: {  	v56 =	vld [tilespmem:s31+$0xE280];
	v8 =	vsub.f32 v8, v4;
	v6 =	vsub.f32 v6, v4  }
0x9f: {  	v57 =	vld [tilespmem:s31+$0xE300];
	v9 =	vsub.f32 v9, v4;
	v10 =	vsub.f32 v10, v4  }
0xa0: {  	v58 =	vld [tilespmem:s31+$0x12280];
	v11 =	vsub.f32 v11, v4;
	v12 =	vsub.f32 v12, v4  }
0xa1: {  	v59 =	vld [tilespmem:s31+$0x12300];
	v13 =	vsub.f32 v13, v4;
	v14 =	vsub.f32 v14, v4  }
0xa2: {  	v15 =	vsub.f32 v15, v4;
	v7 =	vmul.f32 v7, v5;
	v8 =	vmul.f32 v8, v5  }
0xa3: {  	v16 =	vsub.f32 v56, v4;
	v6 =	vmul.f32 v6, v5;
	v9 =	vmul.f32 v9, v5  }
0xa4: {  	v17 =	vsub.f32 v57, v4;
	v10 =	vmul.f32 v10, v5;
	v11 =	vmul.f32 v11, v5  }
0xa5: {  	v18 =	vsub.f32 v58, v4;
	v12 =	vmul.f32 v12, v5;
	v13 =	vmul.f32 v13, v5  }
0xa6: {  	v19 =	vsub.f32 v59, v4;
	v15 =	vmul.f32 v15, v5;
	v14 =	vmul.f32 v14, v5  }
0xa7: {  	v17 =	vmul.f32 v17, v5;
	v16 =	vmul.f32 v16, v5  }
0xa8: {  	v18 =	vmul.f32 v18, v5;
	v62 =	vmul.f32 v19, v5  }
0xa9: {  	v7 =	vtrunc.f32 v7;
	v6 =	vtrunc.f32 v6  }
0xaa: {  	v9 =	vtrunc.f32 v9;
	v10 =	vtrunc.f32 v10  }
0xab: {  	v8 =	vtrunc.f32 v8;
	v12 =	vtrunc.f32 v12  }
0xac: {  	s6 =	sor.u32 $0x380, s30;
	v13 =	vtrunc.f32 v13;
	v11 =	vtrunc.f32 v11  }
0xad: {  	v61 =	vld [tilespmem:s6+$0x12000];
	v15 =	vtrunc.f32 v15;
	v14 =	vtrunc.f32 v14  }
0xae: {  	v17 =	vtrunc.f32 v17;
	v16 =	vtrunc.f32 v16  }
0xaf: {  	v18 =	vtrunc.f32 v18;
	v7 =	vcvt.f32.s32 v7  }
0xb0: {  	v6 =	vcvt.f32.s32 v6;
	v9 =	vcvt.f32.s32 v9  }
0xb1: {  	v12 =	vcvt.f32.s32 v12;
	v13 =	vcvt.f32.s32 v13  }
0xb2: {  	v63 =	vsub.f32 v61, v4;
	v8 =	vcvt.f32.s32 v8;
	v10 =	vcvt.f32.s32 v10  }
0xb3: {  	v11 =	vcvt.f32.s32 v11;
	v15 =	vcvt.f32.s32 v15;
	v12 =	vshll.u32 v12, $0x4  }
0xb4: {  	v60 =	vld [tilespmem:s6+$0xE000];
	v17 =	vcvt.f32.s32 v17;
	v8 =	vshll.u32 v8, $0x4;
	v12 =	vor.u32 v0, v12  }
0xb5: {  	v14 =	vcvt.f32.s32 v14;
	v11 =	vshll.u32 v11, $0x4;
	v8 =	vor.u32 v0, v8  }
0xb6: {  	v16 =	vcvt.f32.s32 v16;
	v7 =	vshll.u32 v7, $0x4;
	v11 =	vor.u32 v0, v11  }
0xb7: {  	v6 =	vshll.u32 v6, $0x4;
	v10 =	vshll.u32 v10, $0x4;
	v7 =	vor.u32 v0, v7  }
0xb8: {  	v9 =	vshll.u32 v9, $0x4;
	v13 =	vshll.u32 v13, $0x4;
	v10 =	vor.u32 v0, v10  }
0xb9: {  	v9 =	vor.u32 v0, v9;
	[tilespmem:v12+s4+$0x0] =	vst.idx.add.f32.msk $0xffff, v2;
	v12 =	vshll.u32 v14, $0x4;
	v14 =	vsub.f32 v60, v4  }
0xba: {  	v15 =	vshll.u32 v15, $0x4;
	v13 =	vor.u32 v0, v13;
	[tilespmem:v8+s22+$0x0] =	vst.idx.add.f32.msk $0xffff, v2;
	v8 =	vcvt.f32.s32 v18  }
0xbb: {  	v17 =	vshll.u32 v17, $0x4;
	v6 =	vor.u32 v0, v6;
	v14 =	vmul.f32 v14, v5;
	[tilespmem:v11+s4+$0x0] =	vst.idx.add.f32.msk $0xffff, v2  }
0xbc: {  	v11 =	vtrunc.f32 v62;
	v8 =	vshll.u32 v8, $0x4;
	[tilespmem:v7+s22+$0x0] =	vst.idx.add.f32.msk $0xffff, v2;
	v7 =	vor.u32 v0, v12  }
0xbd: {  	v12 =	vshll.u32 v16, $0x4;
	[tilespmem:v10+s4+$0x0] =	vst.idx.add.f32.msk $0xffff, v2;
	v10 =	vor.u32 v0, v15;
	v15 =	vmul.f32 v63, v5  }
0xbe: {  	v11 =	vcvt.f32.s32 v11;
	v14 =	vtrunc.f32 v14;
	[tilespmem:v9+s22+$0x0] =	vst.idx.add.f32.msk $0xffff, v2;
	v9 =	vor.u32 v0, v12  }
0xbf: {  	v8 =	vor.u32 v0, v8;
	v12 =	vcvt.f32.s32 v14;
	[tilespmem:v13+s4+$0x0] =	vst.idx.add.f32.msk $0xffff, v2;
	v13 =	vtrunc.f32 v15  }
0xc0: {  	v11 =	vshll.u32 v11, $0x4;
	[tilespmem:v6+s22+$0x0] =	vst.idx.add.f32.msk $0xffff, v2;
	v6 =	vcvt.f32.s32 v13;
	v13 =	vor.u32 v0, v17  }
0xc1: {  	v12 =	vshll.u32 v12, $0x4;
	[tilespmem:v7+s4+$0x0] =	vst.idx.add.f32.msk $0xffff, v2;
	v7 =	vor.u32 v0, v11  }
0xc2: {  	[tilespmem:v10+s22+$0x0] =	vst.idx.add.f32.msk $0xffff, v2;
	v6 =	vshll.u32 v6, $0x4;
	v10 =	vor.u32 v0, v12  }
0xc3: {  	[tilespmem:v9+s4+$0x0] =	vst.idx.add.f32.msk $0xffff, v2;
	v6 =	vor.u32 v0, v6  }
0xc4: {  	[tilespmem:v8+s22+$0x0] =	vst.idx.add.f32.msk $0xffff, v2  }
0xc5: {  	[tilespmem:v13+s4+$0x0] =	vst.idx.add.f32.msk $0xffff, v2  }
0xc6: {  	s30 =	sshll.u32 s29, $0xB;
	p0 =	seq.s32 s29, $0xF;
	[tilespmem:v7+s22+$0x0] =	vst.idx.add.f32.msk $0xffff, v2  }
0xc7: {  	s0 =	sadd.s32 @!p0 s30, s10;
	[tilespmem:v10+s4+$0x0] =	vst.idx.add.f32.msk $0xffff, v2  }
0xc8: {  	s5 =	simm.s32 @!p0 $0x0;
	s14 =	simm.s32 @!p0 $0xE000;
	s2 =	sadd.s32 @!p0 s1, s0;
	[tilespmem:v6+s22+$0x0] =	vst.idx.add.f32.msk $0xffff, v2  }
0xc9: {  	[tilespmem:s14], [sflag:$0x1] =	stream.linear.gather @!p0 [hbm4b:s2+s5], $0x2000, $0x38;
	[tilespmem:$0x16E80] =	vst v63  }
0xca: {  	s0 =	sadd.s32 @!p0 s3, s0;
	s2 =	simm.s32 @!p0 $0x12000  }
0xcb: {  	[tilespmem:s2], [sflag:$0x3] =	stream.linear.gather @!p0 [hbm4b:s0+s5], $0x2000, $0x38;
	[tilespmem:$0x16E80] =	vst v63  }
0xcc: {  	_ =	swait.ge [sflag:s23], $0x2000  }
0xcd: {  	[sflag:s23] =	ssyncset.done $0x0  }
0xce: {  	[sflag:s23] =	ssyncadd.s32 $0xFFFFE000  }
0xcf: {  	s14 =	simm.s32 $0x0;
	_ =	swait.ge [sflag:s24], $0x2000  }
0xd0: {  	s17 =	sand.u32 $0x70, s14;
	s25 =	sand.u32 $0x1C00, s14;
	[sflag:s24] =	ssyncset.done $0x0  }
0xd1: {  	s2 =	sor.u32 s17, s25;
	[sflag:s24] =	ssyncadd.s32 $0xFFFFE000  }
0xd2: {  	v12 =	vld [tilespmem:s2+$0x14180]  }
0xd3: {  	v8 =	vld [tilespmem:s2+$0x14080]  }
0xd4: {  	v11 =	vld [tilespmem:s2+$0x14000]  }
0xd5: {  	v10 =	vld [tilespmem:s2+$0x14100]  }
0xd6: {  	v6 =	vld [tilespmem:s2+$0x10180]  }
0xd7: {  	s16 =	simm.s32 $0x80;
	s5 =	simm.s32 $0x10;
	v9 =	vld [tilespmem:s2+$0x10100]  }
0xd8: {  	s14 =	sor.u32 s14, s14;
	s25 =	sand.u32 $0x1C00, s16;
	s6 =	sand.u32 $0x70, s5;
	v7 =	vld [tilespmem:s2+$0x10080];
	v13 =	vsub.f32 v8, v4  }
0xd9: {  	s17 =	simm.s32 $0x20;
	s31 =	sor.u32 s16, s5;
	s0 =	sor.u32 s6, s25;
	v8 =	vld [tilespmem:s2+$0x10000];
	v11 =	vsub.f32 v11, v4;
	v12 =	vsub.f32 v12, v4  }
.LBB2_7:
0xda: {  	p1 =	sne.s32 s17, $0x3F0  }
0xdb: {  	s16 =	sadd.s32 $0x80, s16;
	v13 =	vmul.f32 v13, v5;
	v10 =	vsub.f32 v10, v4;
	s5 =	smov.u32 s17;
	s17 =	sadd.s32 $0x10, s17  }
0xdc: {  	s25 =	sor.u32 s16, s5;
	v14 =	vld [tilespmem:s2+$0x10200];
	v6 =	vsub.f32 v6, v4;
	v11 =	vmul.f32 v11, v5;
	v12 =	vmul.f32 v12, v5  }
0xdd: {  	v9 =	vsub.f32 v9, v4;
	v13 =	vtrunc.f32 v13;
	v10 =	vmul.f32 v10, v5  }
0xde: {  	v15 =	vld [tilespmem:s2+$0x14200];
	v7 =	vsub.f32 v7, v4;
	v13 =	vcvt.f32.s32 v13;
	v12 =	vtrunc.f32 v12  }
0xdf: {  	v8 =	vsub.f32 v8, v4;
	v9 =	vmul.f32 v9, v5;
	v12 =	vcvt.f32.s32 v12  }
0xe0: {  	v10 =	vtrunc.f32 v10;
	v7 =	vmul.f32 v7, v5;
	v13 =	vshll.u32 v13, $0x4  }
0xe1: {  	v16 =	vld [tilespmem:s2+$0x10280];
	v8 =	vmul.f32 v8, v5;
	v9 =	vtrunc.f32 v9;
	v13 =	vor.u32 v0, v13  }
0xe2: {  	v6 =	vmul.f32 v6, v5;
	v11 =	vtrunc.f32 v11;
	v14 =	vsub.f32 v14, v4  }
0xe3: {  	v10 =	vcvt.f32.s32 v10;
	v17 =	vld [tilespmem:s2+$0x10300];
	v8 =	vtrunc.f32 v8;
	v15 =	vsub.f32 v15, v4  }
0xe4: {  	v6 =	vtrunc.f32 v6;
	v12 =	vshll.u32 v12, $0x4;
	v8 =	vcvt.f32.s32 v8  }
0xe5: {  	v11 =	vcvt.f32.s32 v11;
	v6 =	vcvt.f32.s32 v6;
	v12 =	vor.u32 v0, v12  }
0xe6: {  	v9 =	vcvt.f32.s32 v9;
	v10 =	vshll.u32 v10, $0x4;
	v16 =	vsub.f32 v16, v4  }
0xe7: {  	s5 =	sand.u32 $0x70, s5;
	s6 =	sand.u32 $0x1C00, s16;
	v6 =	vshll.u32 v6, $0x4;
	v14 =	vmul.f32 v14, v5;
	v15 =	vmul.f32 v15, v5;
	v18 =	vld [tilespmem:s2+$0x14280]  }
0xe8: {  	s5 =	sor.u32 s5, s6;
	v11 =	vshll.u32 v11, $0x4;
	v7 =	vtrunc.f32 v7;
	v9 =	vshll.u32 v9, $0x4  }
0xe9: {  	v8 =	vshll.u32 v8, $0x4;
	v15 =	vtrunc.f32 v15;
	v17 =	vsub.f32 v17, v4  }
0xea: {  	s6 =	sor.u32 $0x380, s14;
	s14 =	smov.u32 s31;
	s31 =	smov.u32 s25;
	v7 =	vcvt.f32.s32 v7;
	v8 =	vor.u32 v0, v8;
	v15 =	vcvt.f32.s32 v15;
	v19 =	vld [tilespmem:s2+$0x14300]  }
0xeb: {  	v11 =	vor.u32 v0, v11;
	v14 =	vtrunc.f32 v14;
	v17 =	vmul.f32 v17, v5;
	s2 =	smov.u32 s0;
	s0 =	smov.u32 s5;
	v20 =	vld [tilespmem:s6+$0x10000]  }
0xec: {  	v10 =	vor.u32 v0, v10;
	v7 =	vshll.u32 v7, $0x4;
	v15 =	vshll.u32 v15, $0x4  }
0xed: {  	v14 =	vcvt.f32.s32 v14;
	v17 =	vtrunc.f32 v17;
	v18 =	vsub.f32 v18, v4  }
0xee: {  	v7 =	vor.u32 v0, v7;
	v16 =	vmul.f32 v16, v5;
	v17 =	vcvt.f32.s32 v17;
	v21 =	vld [tilespmem:s6+$0x14000]  }
0xef: {  	v18 =	vmul.f32 v18, v5;
	v19 =	vsub.f32 v19, v4;
	[tilespmem:v8+s4+$0x0] =	vst.idx.add.f32.msk $0xffff, v2  }
0xf0: {  	v9 =	vor.u32 v0, v9;
	v8 =	vtrunc.f32 v16;
	v16 =	vshll.u32 v17, $0x4;
	[tilespmem:v11+s22+$0x0] =	vst.idx.add.f32.msk $0xffff, v2  }
0xf1: {  	v11 =	vshll.u32 v14, $0x4;
	v14 =	vsub.f32 v20, v4;
	v17 =	vtrunc.f32 v18  }
0xf2: {  	v6 =	vor.u32 v0, v6;
	v17 =	vcvt.f32.s32 v17;
	v18 =	vmul.f32 v19, v5  }
0xf3: {  	v8 =	vcvt.f32.s32 v8;
	v14 =	vmul.f32 v14, v5;
	v19 =	vsub.f32 v21, v4;
	[tilespmem:v7+s4+$0x0] =	vst.idx.add.f32.msk $0xffff, v2  }
0xf4: {  	v11 =	vor.u32 v0, v11;
	v7 =	vshll.u32 v17, $0x4;
	v17 =	vtrunc.f32 v18;
	[tilespmem:v13+s22+$0x0] =	vst.idx.add.f32.msk $0xffff, v2  }
0xf5: {  	v13 =	vtrunc.f32 v14;
	v14 =	vcvt.f32.s32 v17;
	[tilespmem:v9+s4+$0x0] =	vst.idx.add.f32.msk $0xffff, v2;
	v9 =	vor.u32 v0, v15  }
0xf6: {  	v8 =	vshll.u32 v8, $0x4;
	v13 =	vcvt.f32.s32 v13;
	v15 =	vmul.f32 v19, v5;
	[tilespmem:v10+s22+$0x0] =	vst.idx.add.f32.msk $0xffff, v2  }
0xf7: {  	v10 =	vshll.u32 v14, $0x4;
	[tilespmem:v6+s4+$0x0] =	vst.idx.add.f32.msk $0xffff, v2;
	v6 =	vor.u32 v0, v8  }
0xf8: {  	v7 =	vor.u32 v0, v7;
	v8 =	vshll.u32 v13, $0x4;
	v13 =	vtrunc.f32 v15;
	[tilespmem:v12+s22+$0x0] =	vst.idx.add.f32.msk $0xffff, v2  }
0xf9: {  	v12 =	vcvt.f32.s32 v13;
	[tilespmem:v11+s4+$0x0] =	vst.idx.add.f32.msk $0xffff, v2;
	v11 =	vor.u32 v0, v16  }
0xfa: {  	[tilespmem:v9+s22+$0x0] =	vst.idx.add.f32.msk $0xffff, v2;
	v9 =	vor.u32 v0, v10  }
0xfb: {  	v8 =	vor.u32 v0, v8;
	v10 =	vshll.u32 v12, $0x4  }
0xfc: {  	[tilespmem:v6+s4+$0x0] =	vst.idx.add.f32.msk $0xffff, v2;
	v6 =	vor.u32 v0, v10  }
0xfd: {  	[tilespmem:v7+s22+$0x0] =	vst.idx.add.f32.msk $0xffff, v2  }
0xfe: {  	[tilespmem:v11+s4+$0x0] =	vst.idx.add.f32.msk $0xffff, v2  }
0xff: {  	[tilespmem:v9+s22+$0x0] =	vst.idx.add.f32.msk $0xffff, v2  }
0x100: {  	[tilespmem:v8+s4+$0x0] =	vst.idx.add.f32.msk $0xffff, v2  }
0x101: {  	[tilespmem:v6+s22+$0x0] =	vst.idx.add.f32.msk $0xffff, v2  }
0x102: {  	v12 =	vld [tilespmem:s2+$0x14180]  }
0x103: {  	v8 =	vld [tilespmem:s2+$0x14080]  }
0x104: {  	v11 =	vld [tilespmem:s2+$0x14000]  }
.Ltmp2:
0x105: {  	v10 =	vld [tilespmem:s2+$0x14100];
	(pc) =	sbr.rel @p1 .LBB2_7-.Ltmp2, $4  }
0x106: {  	v6 =	vld [tilespmem:s2+$0x10180]  }
0x107: {  	v9 =	vld [tilespmem:s2+$0x10100]  }
0x108: {  	v7 =	vld [tilespmem:s2+$0x10080];
	v13 =	vsub.f32 v8, v4  }
0x109: {  	v12 =	vsub.f32 v12, v4;
	v8 =	vld [tilespmem:s2+$0x10000];
	v11 =	vsub.f32 v11, v4  }
0x10a: {  	v13 =	vmul.f32 v13, v5;
	v14 =	vld [tilespmem:s2+$0x10200]  }
0x10b: {  	v10 =	vsub.f32 v10, v4;
	v15 =	vld [tilespmem:s2+$0x14200];
	v11 =	vmul.f32 v11, v5  }
0x10c: {  	v16 =	vld [tilespmem:s2+$0x10280];
	v12 =	vmul.f32 v12, v5;
	v6 =	vsub.f32 v6, v4;
	v13 =	vtrunc.f32 v13  }
0x10d: {  	v17 =	vld [tilespmem:s2+$0x10300];
	v9 =	vsub.f32 v9, v4;
	v10 =	vmul.f32 v10, v5;
	v13 =	vcvt.f32.s32 v13  }
0x10e: {  	v18 =	vld [tilespmem:s2+$0x14280];
	v12 =	vtrunc.f32 v12;
	v6 =	vmul.f32 v6, v5  }
0x10f: {  	v19 =	vld [tilespmem:s2+$0x14300];
	v7 =	vsub.f32 v7, v4;
	v11 =	vtrunc.f32 v11;
	v9 =	vmul.f32 v9, v5  }
0x110: {  	s25 =	sor.u32 $0x380, s14;
	v12 =	vcvt.f32.s32 v12;
	v10 =	vtrunc.f32 v10  }
0x111: {  	v20 =	vld [tilespmem:s25+$0x10000];
	v8 =	vsub.f32 v8, v4;
	v11 =	vcvt.f32.s32 v11;
	v7 =	vmul.f32 v7, v5  }
0x112: {  	v21 =	vld [tilespmem:s25+$0x14000];
	v13 =	vshll.u32 v13, $0x4;
	v14 =	vsub.f32 v14, v4;
	v15 =	vsub.f32 v15, v4  }
0x113: {  	v10 =	vcvt.f32.s32 v10;
	v16 =	vsub.f32 v16, v4;
	v17 =	vsub.f32 v17, v4  }
0x114: {  	v6 =	vtrunc.f32 v6;
	v18 =	vsub.f32 v18, v4;
	v19 =	vsub.f32 v19, v4  }
0x115: {  	v8 =	vmul.f32 v8, v5;
	v9 =	vtrunc.f32 v9;
	v13 =	vor.u32 v0, v13  }
0x116: {  	v12 =	vshll.u32 v12, $0x4;
	v6 =	vcvt.f32.s32 v6;
	v11 =	vshll.u32 v11, $0x4  }
0x117: {  	v27 =	vsub.f32 v20, v4;
	v30 =	vsub.f32 v21, v4;
	v9 =	vcvt.f32.s32 v9  }
0x118: {  	v12 =	vor.u32 v0, v12;
	v15 =	vmul.f32 v15, v5;
	v8 =	vtrunc.f32 v8  }
0x119: {  	v10 =	vshll.u32 v10, $0x4;
	v14 =	vmul.f32 v14, v5;
	v8 =	vcvt.f32.s32 v8  }
0x11a: {  	v7 =	vtrunc.f32 v7;
	v17 =	vmul.f32 v17, v5;
	v11 =	vor.u32 v0, v11  }
0x11b: {  	v16 =	vmul.f32 v16, v5;
	v7 =	vcvt.f32.s32 v7;
	v8 =	vshll.u32 v8, $0x4  }
0x11c: {  	v18 =	vmul.f32 v18, v5;
	v29 =	vmul.f32 v19, v5;
	v8 =	vor.u32 v0, v8  }
0x11d: {  	v6 =	vshll.u32 v6, $0x4;
	v34 =	vmul.f32 v30, v5;
	v7 =	vshll.u32 v7, $0x4  }
0x11e: {  	v15 =	vtrunc.f32 v15;
	v14 =	vtrunc.f32 v14;
	v7 =	vor.u32 v0, v7  }
0x11f: {  	v9 =	vshll.u32 v9, $0x4;
	v17 =	vtrunc.f32 v17;
	v16 =	vtrunc.f32 v16  }
0x120: {  	v18 =	vtrunc.f32 v18;
	v31 =	vtrunc.f32 v29;
	v9 =	vor.u32 v0, v9  }
0x121: {  	v10 =	vor.u32 v0, v10;
	v15 =	vcvt.f32.s32 v15;
	v14 =	vcvt.f32.s32 v14;
	[tilespmem:v8+s4+$0x0] =	vst.idx.add.f32.msk $0xffff, v2  }
0x122: {  	v6 =	vor.u32 v0, v6;
	v17 =	vcvt.f32.s32 v17;
	v16 =	vcvt.f32.s32 v16;
	[tilespmem:v11+s22+$0x0] =	vst.idx.add.f32.msk $0xffff, v2  }
0x123: {  	v28 =	vcvt.f32.s32 v18;
	v15 =	vshll.u32 v15, $0x4;
	v26 =	vshll.u32 v14, $0x4;
	[tilespmem:v7+s4+$0x0] =	vst.idx.add.f32.msk $0xffff, v2  }
0x124: {  	v14 =	vmul.f32 v27, v5;
	v33 =	vshll.u32 v16, $0x4;
	v8 =	vor.u32 v0, v26;
	[tilespmem:v13+s22+$0x0] =	vst.idx.add.f32.msk $0xffff, v2  }
0x125: {  	v17 =	vshll.u32 v17, $0x4;
	v32 =	vor.u32 v0, v15;
	v35 =	vor.u32 v0, v33;
	[tilespmem:v9+s4+$0x0] =	vst.idx.add.f32.msk $0xffff, v2  }
0x126: {  	v14 =	vtrunc.f32 v14;
	v11 =	vcvt.f32.s32 v31;
	v7 =	vshll.u32 v28, $0x4;
	[tilespmem:v10+s22+$0x0] =	vst.idx.add.f32.msk $0xffff, v2  }
0x127: {  	v36 =	vcvt.f32.s32 v14;
	v7 =	vor.u32 v0, v7;
	[tilespmem:v6+s4+$0x0] =	vst.idx.add.f32.msk $0xffff, v2;
	v6 =	vtrunc.f32 v34  }
0x128: {  	v37 =	vor.u32 v0, v17;
	v11 =	vshll.u32 v11, $0x4;
	[tilespmem:v12+s22+$0x0] =	vst.idx.add.f32.msk $0xffff, v2;
	v6 =	vcvt.f32.s32 v6  }
0x129: {  	v13 =	vshll.u32 v36, $0x4;
	v38 =	vor.u32 v0, v11;
	[tilespmem:v8+s4+$0x0] =	vst.idx.add.f32.msk $0xffff, v2  }
0x12a: {  	v39 =	vor.u32 v0, v13;
	[tilespmem:v32+s22+$0x0] =	vst.idx.add.f32.msk $0xffff, v2;
	v6 =	vshll.u32 v6, $0x4  }
0x12b: {  	[tilespmem:v35+s4+$0x0] =	vst.idx.add.f32.msk $0xffff, v2;
	v6 =	vor.u32 v0, v6  }
0x12c: {  	[tilespmem:v7+s22+$0x0] =	vst.idx.add.f32.msk $0xffff, v2  }
0x12d: {  	[tilespmem:v37+s4+$0x0] =	vst.idx.add.f32.msk $0xffff, v2  }
0x12e: {  	[tilespmem:v38+s22+$0x0] =	vst.idx.add.f32.msk $0xffff, v2  }
0x12f: {  	[tilespmem:v39+s4+$0x0] =	vst.idx.add.f32.msk $0xffff, v2  }
0x130: {  	[tilespmem:v6+s22+$0x0] =	vst.idx.add.f32.msk $0xffff, v2  }
0x131: {  	v6 =	vld [tilespmem:s0+$0x14180]  }
0x132: {  	v7 =	vld [tilespmem:s0+$0x14080]  }
0x133: {  	v8 =	vld [tilespmem:s0+$0x14000]  }
0x134: {  	v9 =	vld [tilespmem:s0+$0x14100]  }
0x135: {  	v10 =	vld [tilespmem:s0+$0x10100]  }
0x136: {  	v40 =	vld [tilespmem:s0+$0x10080]  }
0x137: {  	v12 =	vld [tilespmem:s0+$0x10000]  }
0x138: {  	v41 =	vld [tilespmem:s0+$0x10180]  }
0x139: {  	v42 =	vld [tilespmem:s0+$0x10200]  }
0x13a: {  	v43 =	vld [tilespmem:s0+$0x14200]  }
0x13b: {  	v44 =	vld [tilespmem:s0+$0x10280];
	v7 =	vsub.f32 v7, v4;
	v8 =	vsub.f32 v8, v4  }
0x13c: {  	v45 =	vld [tilespmem:s0+$0x10300];
	v6 =	vsub.f32 v6, v4;
	v9 =	vsub.f32 v9, v4  }
0x13d: {  	v46 =	vld [tilespmem:s0+$0x14280];
	v10 =	vsub.f32 v10, v4;
	v11 =	vsub.f32 v40, v4  }
0x13e: {  	s31 =	sor.u32 $0x380, s31;
	v47 =	vld [tilespmem:s0+$0x14300];
	v12 =	vsub.f32 v12, v4;
	v13 =	vsub.f32 v41, v4  }
0x13f: {  	v49 =	vld [tilespmem:s31+$0x14000];
	v14 =	vsub.f32 v42, v4;
	v15 =	vsub.f32 v43, v4;
	v7 =	vmul.f32 v7, v5  }
0x140: {  	v16 =	vsub.f32 v44, v4;
	v8 =	vmul.f32 v8, v5;
	v6 =	vmul.f32 v6, v5  }
0x141: {  	v17 =	vsub.f32 v45, v4;
	v9 =	vmul.f32 v9, v5;
	v10 =	vmul.f32 v10, v5  }
0x142: {  	v18 =	vsub.f32 v46, v4;
	v11 =	vmul.f32 v11, v5;
	v12 =	vmul.f32 v12, v5  }
0x143: {  	v19 =	vsub.f32 v47, v4;
	v13 =	vmul.f32 v13, v5;
	v15 =	vmul.f32 v15, v5  }
0x144: {  	v54 =	vsub.f32 v49, v4;
	v14 =	vmul.f32 v14, v5;
	v17 =	vmul.f32 v17, v5  }
0x145: {  	v16 =	vmul.f32 v16, v5;
	v18 =	vmul.f32 v18, v5  }
0x146: {  	v53 =	vmul.f32 v19, v5;
	v58 =	vmul.f32 v54, v5  }
0x147: {  	v7 =	vtrunc.f32 v7;
	v6 =	vtrunc.f32 v6  }
0x148: {  	v9 =	vtrunc.f32 v9;
	v10 =	vtrunc.f32 v10  }
0x149: {  	v8 =	vtrunc.f32 v8;
	v12 =	vtrunc.f32 v12  }
0x14a: {  	v48 =	vld [tilespmem:s31+$0x10000];
	v13 =	vtrunc.f32 v13;
	v11 =	vtrunc.f32 v11  }
0x14b: {  	v15 =	vtrunc.f32 v15;
	v14 =	vtrunc.f32 v14  }
0x14c: {  	v17 =	vtrunc.f32 v17;
	v16 =	vtrunc.f32 v16  }
0x14d: {  	v18 =	vtrunc.f32 v18;
	v55 =	vtrunc.f32 v53  }
0x14e: {  	v61 =	vtrunc.f32 v58;
	v12 =	vcvt.f32.s32 v12  }
0x14f: {  	v51 =	vsub.f32 v48, v4;
	v7 =	vcvt.f32.s32 v7;
	v8 =	vcvt.f32.s32 v8  }
0x150: {  	v6 =	vcvt.f32.s32 v6;
	v11 =	vcvt.f32.s32 v11;
	v12 =	vshll.u32 v12, $0x4  }
0x151: {  	v9 =	vcvt.f32.s32 v9;
	v8 =	vshll.u32 v8, $0x4;
	v12 =	vor.u32 v0, v12  }
0x152: {  	v10 =	vcvt.f32.s32 v10;
	v11 =	vshll.u32 v11, $0x4;
	v8 =	vor.u32 v0, v8  }
0x153: {  	v13 =	vcvt.f32.s32 v13;
	v7 =	vshll.u32 v7, $0x4;
	v11 =	vor.u32 v0, v11  }
0x154: {  	v15 =	vcvt.f32.s32 v15;
	v10 =	vshll.u32 v10, $0x4;
	v7 =	vor.u32 v0, v7  }
0x155: {  	v14 =	vcvt.f32.s32 v14;
	v9 =	vshll.u32 v9, $0x4;
	v10 =	vor.u32 v0, v10  }
0x156: {  	v52 =	vcvt.f32.s32 v18;
	v13 =	vshll.u32 v13, $0x4;
	v9 =	vor.u32 v0, v9;
	[tilespmem:v12+s4+$0x0] =	vst.idx.add.f32.msk $0xffff, v2  }
0x157: {  	v16 =	vcvt.f32.s32 v16;
	v6 =	vshll.u32 v6, $0x4;
	v13 =	vor.u32 v0, v13;
	[tilespmem:v8+s22+$0x0] =	vst.idx.add.f32.msk $0xffff, v2  }
0x158: {  	v15 =	vshll.u32 v15, $0x4;
	v50 =	vshll.u32 v14, $0x4;
	v6 =	vor.u32 v0, v6;
	[tilespmem:v11+s4+$0x0] =	vst.idx.add.f32.msk $0xffff, v2  }
0x159: {  	v14 =	vmul.f32 v51, v5;
	v57 =	vshll.u32 v16, $0x4;
	[tilespmem:v7+s22+$0x0] =	vst.idx.add.f32.msk $0xffff, v2;
	v7 =	vor.u32 v0, v50  }
0x15a: {  	v17 =	vcvt.f32.s32 v17;
	v56 =	vor.u32 v0, v15;
	v59 =	vor.u32 v0, v57;
	[tilespmem:v10+s4+$0x0] =	vst.idx.add.f32.msk $0xffff, v2  }
0x15b: {  	v14 =	vtrunc.f32 v14;
	v8 =	vshll.u32 v52, $0x4;
	v11 =	vcvt.f32.s32 v55;
	[tilespmem:v9+s22+$0x0] =	vst.idx.add.f32.msk $0xffff, v2  }
0x15c: {  	v17 =	vshll.u32 v17, $0x4;
	v60 =	vcvt.f32.s32 v14;
	v8 =	vor.u32 v0, v8;
	[tilespmem:v13+s4+$0x0] =	vst.idx.add.f32.msk $0xffff, v2  }
0x15d: {  	v62 =	vor.u32 v0, v17;
	v11 =	vshll.u32 v11, $0x4;
	[tilespmem:v6+s22+$0x0] =	vst.idx.add.f32.msk $0xffff, v2;
	v6 =	vcvt.f32.s32 v61  }
0x15e: {  	v12 =	vshll.u32 v60, $0x4;
	[tilespmem:v7+s4+$0x0] =	vst.idx.add.f32.msk $0xffff, v2;
	v7 =	vor.u32 v0, v11  }
0x15f: {  	v63 =	vor.u32 v0, v12;
	[tilespmem:v56+s22+$0x0] =	vst.idx.add.f32.msk $0xffff, v2;
	v6 =	vshll.u32 v6, $0x4  }
0x160: {  	[tilespmem:v59+s4+$0x0] =	vst.idx.add.f32.msk $0xffff, v2;
	v6 =	vor.u32 v0, v6  }
.Ltmp3:
0x161: {  	[tilespmem:v8+s22+$0x0] =	vst.idx.add.f32.msk $0xffff, v2;
	(pc) =	sbr.rel @p0 .LBB2_9-.Ltmp3, $4  }
0x162: {  	[tilespmem:v62+s4+$0x0] =	vst.idx.add.f32.msk $0xffff, v2  }
0x163: {  	[tilespmem:v7+s22+$0x0] =	vst.idx.add.f32.msk $0xffff, v2  }
0x164: {  	[tilespmem:v63+s4+$0x0] =	vst.idx.add.f32.msk $0xffff, v2  }
0x165: {  	[tilespmem:v6+s22+$0x0] =	vst.idx.add.f32.msk $0xffff, v2  }
.Ltmp4:
0x166: {  	s0 =	sadd.s32 s30, s11;
	(pc) =	sbr.rel .LBB2_4-.Ltmp4, $4  }
0x167: {  	s2 =	sadd.s32 s1, s0  }
0x168: {  	[tilespmem:s18], [sflag:$0x2] =	stream.linear.gather [hbm4b:s2+s4], $0x2000, $0x38;
	[tilespmem:$0x16E80] =	vst v63  }
0x169: {  	s29 =	sadd.s32 $0x1, s29;
	s0 =	sadd.s32 s3, s0  }
0x16a: {  	[tilespmem:s19], [sflag:$0x4] =	stream.linear.gather [hbm4b:s0+s4], $0x2000, $0x38;
	[tilespmem:$0x16E80] =	vst v63  }
.LBB2_9:
0x16b: {  	s14 =	simm.s32 $0x0  }
0x16c: {  	v4 =	vmov s14  }
0x16d: {  	v4 =	vshll.u32 v4, $0x4  }
0x16e: {  	v17 =	vor.u32 v3, v4;
	_ =	sdelay $0x1  }
0x16f: {  	v4 =	vor.u32 $0xF, v17;
	_ =	sdelay $0x1  }
0x170: {  	v7 =	vor.u32 $0x2, v17  }
0x171: {  	v9 =	vld.idx.msk [tilespmem:v17+s4+$0x0], $0xffff  }
0x172: {  	v10 =	vor.u32 $0x8, v17;
	v16 =	vld.idx.msk [tilespmem:v17+s22+$0x0], $0xffff  }
0x173: {  	v8 =	vld.idx.msk [tilespmem:v4+s22+$0x0], $0xffff  }
0x174: {  	v5 =	vor.u32 $0xD, v17;
	v4 =	vld.idx.msk [tilespmem:v4+s4+$0x0], $0xffff  }
0x175: {  	v21 =	vor.u32 $0xB, v17;
	v6 =	vld.idx.msk [tilespmem:v7+s4+$0x0], $0xffff  }
0x176: {  	v13 =	vor.u32 $0xE, v17;
	v15 =	vld.idx.msk [tilespmem:v7+s22+$0x0], $0xffff  }
0x177: {  	v19 =	vor.u32 $0xA, v17;
	v25 =	vld.idx.msk [tilespmem:v10+s4+$0x0], $0xffff  }
0x178: {  	v22 =	vor.u32 $0x9, v17;
	v14 =	vld.idx.msk [tilespmem:v10+s22+$0x0], $0xffff  }
0x179: {  	v24 =	vor.u32 $0x7, v17;
	v26 =	vld.idx.msk [tilespmem:v5+s22+$0x0], $0xffff  }
0x17a: {  	v27 =	vld.idx.msk [tilespmem:v21+s4+$0x0], $0xffff  }
0x17b: {  	v12 =	vor.u32 $0xC, v17;
	v18 =	vld.idx.msk [tilespmem:v13+s22+$0x0], $0xffff  }
0x17c: {  	v23 =	vor.u32 $0x5, v17;
	v28 =	vld.idx.msk [tilespmem:v19+s4+$0x0], $0xffff  }
0x17d: {  	v20 =	vor.u32 $0x1, v17;
	v29 =	vld.idx.msk [tilespmem:v22+s4+$0x0], $0xffff  }
0x17e: {  	s16 =	simm.s32 $0x10;
	s2 =	simm.s32 $0x0;
	s0 =	sand.u32 $0xF00, s14;
	v11 =	vor.u32 $0x6, v17;
	v10 =	vor.u32 $0x3, v17;
	v7 =	vor.u32 $0x4, v17;
	v17 =	vld.idx.msk [tilespmem:v24+s4+$0x0], $0xffff  }
.LBB2_10:
0x17f: {  	p0 =	sne.s32 s16, $0x6F0  }
0x180: {  	v30 =	vld.idx.msk [tilespmem:v12+s22+$0x0], $0xffff;
	s14 =	sadd.s32 $0x20, s14;
	s28 =	smov.u32 s16;
	s16 =	sadd.s32 $0x10, s16  }
0x181: {  	s17 =	sand.u32 $0xF00, s14;
	v31 =	vld.idx.msk [tilespmem:v23+s22+$0x0], $0xffff  }
0x182: {  	v24 =	vld.idx.msk [tilespmem:v24+s22+$0x0], $0xffff  }
0x183: {  	v27 =	vadd.f32 v27, v28;
	v32 =	vld.idx.msk [tilespmem:v20+s22+$0x0], $0xffff  }
0x184: {  	v25 =	vadd.f32 v29, v25;
	v20 =	vld.idx.msk [tilespmem:v20+s4+$0x0], $0xffff  }
0x185: {  	v28 =	vld.idx.msk [tilespmem:v10+s22+$0x0], $0xffff  }
0x186: {  	v26 =	vadd.f32 v26, v30;
	v21 =	vld.idx.msk [tilespmem:v21+s22+$0x0], $0xffff  }
0x187: {  	v22 =	vld.idx.msk [tilespmem:v22+s22+$0x0], $0xffff  }
0x188: {  	v19 =	vld.idx.msk [tilespmem:v19+s22+$0x0], $0xffff  }
0x189: {  	v16 =	vadd.f32 v32, v16;
	v29 =	vld.idx.msk [tilespmem:v7+s22+$0x0], $0xffff  }
0x18a: {  	v9 =	vadd.f32 v20, v9;
	v13 =	vld.idx.msk [tilespmem:v13+s4+$0x0], $0xffff  }
0x18b: {  	v15 =	vadd.f32 v28, v15;
	v20 =	vld.idx.msk [tilespmem:v11+s4+$0x0], $0xffff  }
0x18c: {  	v10 =	vld.idx.msk [tilespmem:v10+s4+$0x0], $0xffff  }
0x18d: {  	v11 =	vld.idx.msk [tilespmem:v11+s22+$0x0], $0xffff  }
0x18e: {  	v8 =	vadd.f32 v8, v18;
	v14 =	vadd.f32 v22, v14;
	v12 =	vld.idx.msk [tilespmem:v12+s4+$0x0], $0xffff  }
0x18f: {  	v19 =	vadd.f32 v21, v19;
	v18 =	vld.idx.msk [tilespmem:v23+s4+$0x0], $0xffff  }
0x190: {  	v21 =	vadd.f32 v31, v29;
	v7 =	vld.idx.msk [tilespmem:v7+s4+$0x0], $0xffff  }
0x191: {  	v4 =	vadd.f32 v4, v13;
	v13 =	vadd.f32 v19, v14;
	v5 =	vld.idx.msk [tilespmem:v5+s4+$0x0], $0xffff  }
0x192: {  	v6 =	vadd.f32 v10, v6  }
0x193: {  	v10 =	vadd.f32 v17, v20  }
0x194: {  	v14 =	vadd.f32 v15, v16;
	v11 =	vadd.f32 v24, v11  }
0x195: {  	v8 =	vadd.f32 v8, v26;
	v6 =	vadd.f32 v6, v9  }
0x196: {  	v9 =	vadd.f32 v11, v21;
	v7 =	vadd.f32 v18, v7  }
0x197: {  	v8 =	vadd.f32 v8, v13;
	v5 =	vadd.f32 v5, v12  }
0x198: {  	v11 =	vmov s28;
	v9 =	vadd.f32 v9, v14;
	v7 =	vadd.f32 v10, v7  }
0x199: {  	v10 =	vshll.u32 v11, $0x4;
	v11 =	vadd.f32 v27, v25;
	v4 =	vadd.f32 v4, v5  }
0x19a: {  	s5 =	sand.u32 $0x70, s2;
	s2 =	smov.u32 s28;
	v17 =	vor.u32 v3, v10;
	v5 =	vadd.f32 v7, v6;
	v6 =	vadd.f32 v8, v9  }
0x19b: {  	s5 =	sor.u32 s5, s0;
	s0 =	smov.u32 s17;
	v20 =	vor.u32 $0x1, v17;
	v14 =	vor.u32 $0x2, v17;
	v4 =	vadd.f32 v4, v11  }
0x19c: {  	v10 =	vor.u32 $0x3, v17;
	v7 =	vor.u32 $0x4, v17;
	v15 =	vor.u32 $0xF, v17;
	[tilespmem:s5+$0x16080] =	vst v6  }
0x19d: {  	v24 =	vor.u32 $0x7, v17;
	v11 =	vor.u32 $0x6, v17;
	v4 =	vadd.f32 v4, v5  }
0x19e: {  	v18 =	vor.u32 $0x8, v17;
	v12 =	vor.u32 $0xC, v17;
	v13 =	vor.u32 $0xE, v17  }
0x19f: {  	v22 =	vor.u32 $0x9, v17;
	v19 =	vor.u32 $0xA, v17;
	v21 =	vor.u32 $0xB, v17;
	[tilespmem:s5+$0x16000] =	vst v4  }
0x1a0: {  	v9 =	vld.idx.msk [tilespmem:v17+s4+$0x0], $0xffff  }
0x1a1: {  	v8 =	vld.idx.msk [tilespmem:v15+s22+$0x0], $0xffff  }
0x1a2: {  	v5 =	vor.u32 $0xD, v17;
	v4 =	vld.idx.msk [tilespmem:v15+s4+$0x0], $0xffff  }
0x1a3: {  	v16 =	vld.idx.msk [tilespmem:v17+s22+$0x0], $0xffff  }
0x1a4: {  	v6 =	vld.idx.msk [tilespmem:v14+s4+$0x0], $0xffff  }
0x1a5: {  	v15 =	vld.idx.msk [tilespmem:v14+s22+$0x0], $0xffff  }
0x1a6: {  	v25 =	vld.idx.msk [tilespmem:v18+s4+$0x0], $0xffff  }
0x1a7: {  	v14 =	vld.idx.msk [tilespmem:v18+s22+$0x0], $0xffff  }
0x1a8: {  	v26 =	vld.idx.msk [tilespmem:v5+s22+$0x0], $0xffff  }
.Ltmp5:
0x1a9: {  	v23 =	vor.u32 $0x5, v17;
	v27 =	vld.idx.msk [tilespmem:v21+s4+$0x0], $0xffff;
	(pc) =	sbr.rel @p0 .LBB2_10-.Ltmp5, $4  }
0x1aa: {  	v18 =	vld.idx.msk [tilespmem:v13+s22+$0x0], $0xffff  }
0x1ab: {  	v28 =	vld.idx.msk [tilespmem:v19+s4+$0x0], $0xffff  }
0x1ac: {  	v29 =	vld.idx.msk [tilespmem:v22+s4+$0x0], $0xffff  }
0x1ad: {  	v17 =	vld.idx.msk [tilespmem:v24+s4+$0x0], $0xffff  }
0x1ae: {  	_ =	sdelay $0x3  }
0x1af: {  	v30 =	vld.idx.msk [tilespmem:v12+s22+$0x0], $0xffff  }
0x1b0: {  	v31 =	vld.idx.msk [tilespmem:v23+s22+$0x0], $0xffff  }
0x1b1: {  	v24 =	vld.idx.msk [tilespmem:v24+s22+$0x0], $0xffff  }
0x1b2: {  	v32 =	vld.idx.msk [tilespmem:v20+s22+$0x0], $0xffff  }
0x1b3: {  	v51 =	vld.idx.msk [tilespmem:v20+s4+$0x0], $0xffff  }
0x1b4: {  	v33 =	vld.idx.msk [tilespmem:v10+s22+$0x0], $0xffff  }
0x1b5: {  	v21 =	vld.idx.msk [tilespmem:v21+s22+$0x0], $0xffff  }
0x1b6: {  	v22 =	vld.idx.msk [tilespmem:v22+s22+$0x0], $0xffff  }
0x1b7: {  	v19 =	vld.idx.msk [tilespmem:v19+s22+$0x0], $0xffff  }
0x1b8: {  	v34 =	vld.idx.msk [tilespmem:v7+s22+$0x0], $0xffff  }
0x1b9: {  	v13 =	vld.idx.msk [tilespmem:v13+s4+$0x0], $0xffff  }
0x1ba: {  	v35 =	vld.idx.msk [tilespmem:v11+s4+$0x0], $0xffff  }
0x1bb: {  	v52 =	vld.idx.msk [tilespmem:v10+s4+$0x0], $0xffff  }
0x1bc: {  	v53 =	vld.idx.msk [tilespmem:v11+s22+$0x0], $0xffff  }
0x1bd: {  	v54 =	vld.idx.msk [tilespmem:v12+s4+$0x0], $0xffff  }
0x1be: {  	v55 =	vld.idx.msk [tilespmem:v23+s4+$0x0], $0xffff;
	v8 =	vadd.f32 v8, v18;
	v27 =	vadd.f32 v27, v28  }
0x1bf: {  	v56 =	vld.idx.msk [tilespmem:v7+s4+$0x0], $0xffff;
	v25 =	vadd.f32 v29, v25;
	v26 =	vadd.f32 v26, v30  }
0x1c0: {  	v5 =	vld.idx.msk [tilespmem:v5+s4+$0x0], $0xffff;
	v16 =	vadd.f32 v32, v16;
	v9 =	vadd.f32 v51, v9  }
0x1c1: {  	v15 =	vadd.f32 v33, v15;
	v14 =	vadd.f32 v22, v14  }
0x1c2: {  	v19 =	vadd.f32 v21, v19;
	v57 =	vadd.f32 v31, v34  }
0x1c3: {  	v4 =	vadd.f32 v4, v13;
	v6 =	vadd.f32 v52, v6  }
0x1c4: {  	v59 =	vadd.f32 v17, v35;
	v11 =	vadd.f32 v24, v53  }
0x1c5: {  	v7 =	vadd.f32 v55, v56;
	v5 =	vadd.f32 v5, v54  }
0x1c6: {  	v62 =	vadd.f32 v27, v25;
	v58 =	vadd.f32 v19, v14  }
0x1c7: {  	v60 =	vadd.f32 v15, v16;
	v6 =	vadd.f32 v6, v9  }
0x1c8: {  	v8 =	vadd.f32 v8, v26;
	v61 =	vadd.f32 v11, v57  }
0x1c9: {  	v7 =	vadd.f32 v59, v7;
	v4 =	vadd.f32 v4, v5  }
0x1ca: {  	v5 =	vadd.f32 v8, v58;
	v63 =	vadd.f32 v61, v60  }
0x1cb: {  	v6 =	vadd.f32 v7, v6;
	v4 =	vadd.f32 v4, v62  }
0x1cc: {  	s2 =	sand.u32 $0x70, s2;
	v5 =	vadd.f32 v5, v63  }
0x1cd: {  	s26 =	sadd.s32 $0x1, s26;
	s0 =	sor.u32 s2, s0;
	v4 =	vadd.f32 v4, v6  }
0x1ce: {  	p0 =	sne.s32 s26, s13;
	[tilespmem:s0+$0x16080] =	vst v5  }
.Ltmp6:
0x1cf: {  	s31 =	simm.s32 $0x16000;
	[tilespmem:s0+$0x16000] =	vst v4;
	(pc) =	sbr.rel @p0 .LBB2_1-.Ltmp6, $4  }
0x1d0: {  	[hbm4b:s12+s4] =	stream.linear.scatter [tilespmem:s31], [sflag:$0x5], $0xE00, $0x38;
	[tilespmem:$0x16E80] =	vst v63  }
0x1d1: {  	_ =	swait.ge [sflag:s15], $0xE00  }
0x1d2: {  	[sflag:s15] =	ssyncset.done $0x0  }
0x1d3: {  	[sflag:s15] =	ssyncadd.s32 $0xFFFFF200  }
0x1d4: {  	_ =	sfence.sel $0x180000  }
0x1d5: {  	[bflag:$0x0] =	sbarrier.arrive $0xFFFF  }
0x1d6: {  	_ =	strace $0x90000047  }
0x1d7: {  	s0 =	stileid.u32;
	[bflag:$0x2] =	sbarrier.arrive $0xFFFF  }
0x1d8: {  	p0 =	sne.s32 s0, $0x0;
	s0 =	rddreg [dreg:$0x3]  }
0x1d9: {  	s0 =	sadd.s32 @!p0 $0x100000, s0  }
0x1da: {  	[sflag:s0] =	ssyncadd.tile.s32 @!p0 $0x1;
	_ =	shalt  }
.Lfunc_end2:
_tile_overlayer_lowered:
.L_overlay_start_2:
0x1db: {  	(tag) =	ssettag $0x2  }
0x1dc: {  	s0 =	rddreg [dreg:$0x0];
	s2 =	stileid.u32  }
0x1dd: {  	s1 =	rddreg [dreg:$0x1];
	p0 =	sne.s32 s2, $0x0  }
0x1de: {  	s3 =	rddreg [dreg:$0x2];
	[bflag:$0x3] =	sbarrier.arrive $0xFFFF;
	s2 =	simm.s32 @!p0 $0x1C05  }
0x1df: {  	[timem:s3], [sflag:s2] =	dma.local @!p0 [hbm:s0], s1  }
0x1e0: {  	s0 =	simm.s32 @!p0 $0x5  }
0x1e1: {  	_ =	swait.ge @!p0 [sflag:s0], s1  }
0x1e2: {  	s1 =	ssub.s32 @!p0 $0x0, s1;
	[sflag:s0] =	ssyncset.done @!p0 $0x0  }
0x1e3: {  	[sflag:s0] =	ssyncadd.s32 @!p0 s1  }
0x1e4: {  	[bflag:$0x3] =	sbarrier.arrive $0xFFFF  }
0x1e5: {  	_ =	shalt  }

</sc_bundles>
